<compile_context>
chip_gen: v7x
topology: tpu7x:2x2x1
jax: 0.10.2.dev20260603
libtpu: 0.0.44.dev20260713+nightly
codegen_flags: <defaults>
</compile_context>

<pallas_src>
import functools

import jax
import jax.numpy as jnp
import numpy as np
from jax import lax
from jax.experimental import pallas as pl
from jax.experimental.pallas import tpu as pltpu
from jax.experimental.pallas import tpu_sc as plsc

N = 256
C1 = 64
F = 256
K = 52
TPAD = 56
TI = 32

_DINV2 = np.float32(1.0) / np.sqrt(np.float32(2.0))
_LNORM = np.float32(_DINV2 * _DINV2)
_RATIO = np.float32(0.2)
_NEG_INF = np.float32(-np.inf)

_PREC = jax.lax.Precision.DEFAULT


def _dot(a, b):
    return jnp.dot(a, b, precision=_PREC, preferred_element_type=jnp.float32)


NTI = N // TI


def _encoder_kernel(mat_ref, data_ref, w1t_ref, b1_ref, w2t_ref, b2_ref,
                    wrel_ref, wroot_ref, pb_ref, wpair_ref,
                    a_ref, bt_ref, u_ref, xc_ref, vals_ref, idx_ref, kfb_ref,
                    mask_s, c2_s, slw_s, s0p_s, rw2_s):
    j = pl.program_id(1)

    @pl.when(j == 0)
    def _phase_a():
        mask = (mat_ref[...] > 0).astype(jnp.float32)
        mask_s[...] = mask
        deg = jnp.sum(mask, axis=1)
        lf = deg + 1.0
        tt = 1.0 / jnp.sqrt(lf)
        enorm = (tt * _DINV2)[:, None]
        cnorm = (tt * tt)[:, None]
        kfb_ref[...] = jnp.broadcast_to(jnp.ceil(_RATIO * lf)[:, None],
                                        (N, TPAD))
        y = _dot(data_ref[0], w1t_ref[0])
        ms = _dot(mask, y)
        b1 = b1_ref[0, 0][None, :]
        xc1 = jax.nn.relu(ms * enorm + y * cnorm + b1)
        c2 = _dot(xc1, w2t_ref[0])
        a_ref[0] = y * enorm + b1
        bt_ref[0] = y * _LNORM
        u_ref[0] = c2 * enorm + b2_ref[0, 0][None, :]
        c2_s[...] = c2

    @pl.when((j > 0) & (j <= NTI))
    def _phase_b():
        i0 = (j - 1) * TI
        at = a_ref[0, pl.ds(i0, TI), :]
        ut = u_ref[0, pl.ds(i0, TI), :]
        bt = bt_ref[0]
        mask = mask_s[pl.ds(i0, TI), :]
        r = jax.nn.relu(at[:, None, :] + bt[None, :, :])
        r1 = jnp.sum(r * mask[:, :, None], axis=1)
        v = _dot(r.reshape(TI * N, C1), w2t_ref[0])
        t = jax.nn.relu(ut[:, None, :] + _LNORM * v.reshape(TI, N, F))
        p = _dot(t.reshape(TI * N, F), wpair_ref[0]).reshape(TI, N, 128)
        sleaf = p[:, :, 0]
        twrel = p[:, :, 1]
        s0p = jnp.sum(mask * twrel, axis=1)
        s0p_s[pl.ds(i0, TI), :] = jnp.broadcast_to(s0p[:, None], (TI, 8))
        slw_s[pl.ds(i0, TI), :] = jnp.where(mask > 0, sleaf, _NEG_INF)
        rw2_s[pl.ds(i0, TI), :] = _dot(r1, w2t_ref[0])

    @pl.when(j == NTI + 1)
    def _phase_c():
        mask = mask_s[...]
        deg = jnp.sum(mask, axis=1)
        lf = deg + 1.0
        tt = 1.0 / jnp.sqrt(lf)
        enorm = (tt * _DINV2)[:, None]
        cnorm = (tt * tt)[:, None]
        c2 = c2_s[...]
        xc = jax.nn.relu(rw2_s[...] * enorm + c2 * cnorm
                         + b2_ref[0, 0][None, :])
        xc_ref[0] = xc
        wrel = wrel_ref[0, 0][None, :]
        wroot = wroot_ref[0, 0][None, :]
        pb = pb_ref[0, 0]
        ci = jnp.sum(xc * wrel, axis=1) + pb
        s0 = s0p_s[:, 0] + jnp.sum(xc * wroot, axis=1) + pb
        slw_s[...] = slw_s[...] + ci[:, None]

        vals_ref[0] = jnp.zeros((TPAD, N), jnp.float32)
        idx_ref[0] = jnp.zeros((TPAD, N), jnp.int32)
        cols = lax.broadcasted_iota(jnp.int32, (N, N), 1)
        big = jnp.int32(1 << 30)

        def body(t, s0c):
            sl = slw_s[...]
            mleaf = jnp.max(sl, axis=1)
            iscen = s0c >= mleaf
            m = jnp.where(iscen, s0c, mleaf)
            ismax = sl == mleaf[:, None]
            jleaf = jnp.min(jnp.where(ismax, cols, big), axis=1)
            jstar = jnp.where(iscen, 0, jleaf + 1)
            kill = (~iscen)[:, None] & ismax & (cols == jleaf[:, None])
            slw_s[...] = jnp.where(kill, _NEG_INF, sl)
            vals_ref[0, pl.ds(t, 1), :] = m[None, :]
            idx_ref[0, pl.ds(t, 1), :] = jstar[None, :]
            return jnp.where(iscen, _NEG_INF, s0c)

        lax.fori_loop(0, K, body, s0, unroll=False)


def _run_encoder(matrix, data, w1t, b1, w2t, b2, wrel, wroot, pb, wpair):
    f32 = jnp.float32
    return pl.pallas_call(
        _encoder_kernel,
        grid=(2, NTI + 2),
        in_specs=[
            pl.BlockSpec((N, N), lambda n, j: (0, 0)),
            pl.BlockSpec((1, N, 128), lambda n, j: (n, 0, 0)),
            pl.BlockSpec((1, 128, C1), lambda n, j: (n, 0, 0)),
            pl.BlockSpec((1, 1, C1), lambda n, j: (n, 0, 0)),
            pl.BlockSpec((1, C1, F), lambda n, j: (n, 0, 0)),
            pl.BlockSpec((1, 1, F), lambda n, j: (n, 0, 0)),
            pl.BlockSpec((1, 1, F), lambda n, j: (n, 0, 0)),
            pl.BlockSpec((1, 1, F), lambda n, j: (n, 0, 0)),
            pl.BlockSpec((1, 1, N), lambda n, j: (n, 0, 0)),
            pl.BlockSpec((1, F, 128), lambda n, j: (n, 0, 0)),
        ],
        out_specs=[
            pl.BlockSpec((1, N, C1), lambda n, j: (n, 0, 0)),
            pl.BlockSpec((1, N, C1), lambda n, j: (n, 0, 0)),
            pl.BlockSpec((1, N, F), lambda n, j: (n, 0, 0)),
            pl.BlockSpec((1, N, F), lambda n, j: (n, 0, 0)),
            pl.BlockSpec((1, TPAD, N), lambda n, j: (n, 0, 0)),
            pl.BlockSpec((1, TPAD, N), lambda n, j: (n, 0, 0)),
            pl.BlockSpec((N, TPAD), lambda n, j: (0, 0)),
        ],
        out_shape=[
            jax.ShapeDtypeStruct((2, N, C1), f32),
            jax.ShapeDtypeStruct((2, N, C1), f32),
            jax.ShapeDtypeStruct((2, N, F), f32),
            jax.ShapeDtypeStruct((2, N, F), f32),
            jax.ShapeDtypeStruct((2, TPAD, N), f32),
            jax.ShapeDtypeStruct((2, TPAD, N), jnp.int32),
            jax.ShapeDtypeStruct((N, TPAD), f32),
        ],
        scratch_shapes=[
            pltpu.VMEM((N, N), f32),
            pltpu.VMEM((N, F), f32),
            pltpu.VMEM((N, N), f32),
            pltpu.VMEM((N, 8), f32),
            pltpu.VMEM((N, F), f32),
        ],
    )(matrix, data, w1t, b1, w2t, b2, wrel, wroot, pb, wpair)


_GROWS = 2 * N * TPAD
_NW = 32
_RPW = _GROWS // _NW
_ICH = _RPW // 128


def _sc_gather_body(table_ref, idx_ref, out_ref, tbls, idxv, rows, sem):
    sid = lax.axis_index("s")
    wid = sid * 2 + lax.axis_index("c")

    @pl.when(sid == 0)
    def _stage():
        pltpu.sync_copy(table_ref, tbls)

    plsc.subcore_barrier()
    pltpu.sync_copy(idx_ref.at[pl.ds(wid * 8, 8)], idxv)
    cps = [
        pltpu.async_copy(tbls.at[idxv.at[c]],
                         rows.at[pl.ds(c * 128, 128)], sem)
        for c in range(_ICH)
    ]
    for cp in cps:
        cp.wait()
    pltpu.sync_copy(rows, out_ref.at[pl.ds(wid * _RPW, _RPW)])


def _run_sc_gather(table, gidx):
    mesh = plsc.VectorSubcoreMesh(core_axis_name="c", subcore_axis_name="s")
    fn = functools.partial(
        pl.kernel,
        mesh=mesh,
        out_type=jax.ShapeDtypeStruct((_GROWS, 128), jnp.float32),
        scratch_types=[
            pltpu.VMEM_SHARED((2 * N, 128), jnp.float32),
            pltpu.VMEM((8, 128), jnp.int32),
            pltpu.VMEM((_RPW, 128), jnp.float32),
            pltpu.SemaphoreType.DMA,
        ],
    )(_sc_gather_body)
    return fn(table, gidx)


def _pool_kernel(bsel_ref, a_ref, u_ref, xc_ref, vals_ref, idx_ref, kfb_ref,
                 w2t_ref, wat_ref, ba_ref, wbt_ref, bb_ref, out_ref):
    a8 = a_ref[0]
    bsel = bsel_ref[0][:, :, :C1]
    r = jax.nn.relu(a8[:, None, :] + bsel)
    v = _dot(r.reshape(TI * TPAD, C1), w2t_ref[0])
    t = jax.nn.relu(u_ref[0][:, None, :] + _LNORM * v.reshape(TI, TPAD, F))
    cenf = (idx_ref[0] == 0).astype(jnp.float32)[:, :, None]
    xcb = xc_ref[0][:, None, :]
    t = t * (1.0 - cenf) + xcb * cenf
    selv = t * jnp.tanh(vals_ref[0])[:, :, None]
    kf = kfb_ref[...]
    tpos = lax.broadcasted_iota(jnp.int32, (TI, TPAD), 1).astype(jnp.float32)
    validf = (tpos < kf).astype(jnp.float32)[:, :, None]
    big = jnp.float32(3.0e38)
    mx = jnp.max(selv * validf - (1.0 - validf) * big, axis=1)
    mn = jnp.sum(selv * validf, axis=1) / kf[:, :1]
    wat = wat_ref[0]
    h = jax.nn.relu(_dot(mx, wat[:F]) + _dot(mn, wat[F:]) + ba_ref[0, 0][None, :])
    out_ref[0] = _dot(h, wbt_ref[0]) + bb_ref[0, 0][None, :]


def _run_pool(bsel, a, u, xc, vals, idx, kfb, w2t, wat, ba, wbt, bb):
    nti = N // TI
    return pl.pallas_call(
        _pool_kernel,
        grid=(2, nti),
        in_specs=[
            pl.BlockSpec((1, TI, TPAD, 128), lambda n, i: (n, i, 0, 0)),
            pl.BlockSpec((1, TI, C1), lambda n, i: (n, i, 0)),
            pl.BlockSpec((1, TI, F), lambda n, i: (n, i, 0)),
            pl.BlockSpec((1, TI, F), lambda n, i: (n, i, 0)),
            pl.BlockSpec((1, TI, TPAD), lambda n, i: (n, i, 0)),
            pl.BlockSpec((1, TI, TPAD), lambda n, i: (n, i, 0)),
            pl.BlockSpec((TI, TPAD), lambda n, i: (i, 0)),
            pl.BlockSpec((1, C1, F), lambda n, i: (n, 0, 0)),
            pl.BlockSpec((1, 2 * F, F), lambda n, i: (n, 0, 0)),
            pl.BlockSpec((1, 1, F), lambda n, i: (n, 0, 0)),
            pl.BlockSpec((1, F, 128), lambda n, i: (n, 0, 0)),
            pl.BlockSpec((1, 1, 128), lambda n, i: (n, 0, 0)),
        ],
        out_specs=pl.BlockSpec((1, TI, 128), lambda n, i: (n, i, 0)),
        out_shape=jax.ShapeDtypeStruct((2, N, 128), jnp.float32),
    )(bsel, a, u, xc, vals, idx, kfb, w2t, wat, ba, wbt, bb)


def _head_kernel(phi_ref, psi_ref, pos_ref, eps_ref,
                 wiht_ref, bih_ref, whht_ref, bhh_ref,
                 wet_ref, be_ref, wmut_ref, bmu_ref, wlvt_ref, blv_ref,
                 wd1zt_ref, wd1pt_ref, bd1_ref, wd2t_ref, bd2_ref,
                 recon_ref, nh_ref, mu_ref, lv_ref):
    H = 128
    phi = phi_ref[...]
    psi = psi_ref[...]
    gi = _dot(phi, wiht_ref[...]) + bih_ref[...][None, :]
    gh = _dot(psi, whht_ref[...]) + bhh_ref[...][None, :]
    r = jax.nn.sigmoid(gi[:, :H] + gh[:, :H])
    zg = jax.nn.sigmoid(gi[:, H:2 * H] + gh[:, H:2 * H])
    ng = jnp.tanh(gi[:, 2 * H:] + r * gh[:, 2 * H:])
    next_hid = (1.0 - zg) * ng + zg * psi
    nh_ref[...] = next_hid
    latent = _dot(next_hid, wet_ref[...]) + be_ref[...][None, :]
    mu = _dot(latent, wmut_ref[...]) + bmu_ref[...][None, :]
    lv = _dot(latent, wlvt_ref[...]) + blv_ref[...][None, :]
    mu_ref[...] = mu
    lv_ref[...] = lv
    z = mu + jnp.exp(0.5 * lv) * eps_ref[...]
    h = jax.nn.relu(_dot(z, wd1zt_ref[...]) + _dot(pos_ref[...], wd1pt_ref[...])
                    + bd1_ref[...][None, :])
    recon_ref[...] = jax.nn.sigmoid(_dot(h, wd2t_ref[...]) + bd2_ref[...][None, :])


def _run_head(phi, psi, pos, eps, p):
    f32 = jnp.float32
    g, enc, muh, lvh, dec = p["gru"], p["enc"], p["mu"], p["lv"], p["dec"]
    args = (
        phi, psi, pos, eps,
        g["Wih"].T, g["bih"], g["Whh"].T, g["bhh"],
        enc["W"].T, enc["b"], muh["W"].T, muh["b"], lvh["W"].T, lvh["b"],
        dec["W1"][:, :64].T, dec["W1"][:, 64:].T, dec["b1"],
        dec["W2"].T, dec["b2"],
    )
    return pl.pallas_call(
        _head_kernel,
        out_shape=[
            jax.ShapeDtypeStruct((N, 96), f32),
            jax.ShapeDtypeStruct((N, 128), f32),
            jax.ShapeDtypeStruct((N, 64), f32),
            jax.ShapeDtypeStruct((N, 64), f32),
        ],
    )(*args)


def kernel(obs, matrix, hid, pos, params):
    f32 = jnp.float32
    po, ph = params["obs_net"], params["hid_net"]

    data = jnp.stack([
        jnp.pad(obs, ((0, 0), (0, 32))), hid]).astype(f32)
    w1t = jnp.stack([jnp.pad(po["W1"], ((0, 0), (0, 32))).T, ph["W1"].T])
    b1 = jnp.stack([po["b1"], ph["b1"]])[:, None, :]
    w2t = jnp.stack([po["W2"].T, ph["W2"].T])
    b2 = jnp.stack([po["b2"], ph["b2"]])[:, None, :]
    wrel = jnp.stack([po["Wrel"][0], ph["Wrel"][0]])[:, None, :]
    wroot = jnp.stack([po["Wroot"][0], ph["Wroot"][0]])[:, None, :]
    pb = jnp.broadcast_to(jnp.stack([po["pb"], ph["pb"]])[:, None, :], (2, 1, N))
    wat = jnp.stack([po["Wa"].T, ph["Wa"].T])
    ba = jnp.stack([po["ba"], ph["ba"]])[:, None, :]
    wbt = jnp.stack([jnp.pad(po["Wb"].T, ((0, 0), (0, 32))), ph["Wb"].T])
    bb = jnp.stack([jnp.pad(po["bb"], (0, 32)), ph["bb"]])[:, None, :]

    wpair = jnp.pad(jnp.stack([wroot[:, 0], wrel[:, 0]], axis=-1),
                    ((0, 0), (0, 0), (0, 126)))
    a, bt, u, xc, vals_t, idx_t, kfb = _run_encoder(
        matrix, data, w1t, b1, w2t, b2, wrel, wroot, pb, wpair)

    idx_nt = jnp.transpose(idx_t, (0, 2, 1))
    vals_nt = jnp.transpose(vals_t, (0, 2, 1))
    off = jnp.arange(2, dtype=jnp.int32)[:, None, None] * N
    gidx = (jnp.clip(idx_nt - 1, 0, N - 1) + off).reshape(_NW, _ICH, 128)
    gidx = jnp.pad(gidx, ((0, 0), (0, 8 - _ICH), (0, 0))).reshape(_NW * 8, 128)
    table = jnp.pad(bt.reshape(2 * N, C1), ((0, 0), (0, 128 - C1)))
    bsel = _run_sc_gather(table, gidx).reshape(2, N, TPAD, 128)

    pool = _run_pool(bsel, a, u, xc, vals_nt, idx_nt, kfb,
                     w2t, wat, ba, wbt, bb)
    phi = pool[0, :, :96]
    psi = pool[1]

    eps = jax.random.normal(jax.random.key(42), (N, 64), dtype=f32)
    recon, next_hid, mu, log_var = _run_head(phi, psi, pos, eps, params)
    return (recon, next_hid, mu, log_var)

# --- scband reference (transcript-rebuilt; emitter-appended) ---
"""Pipeline reference for scband-vae-62818191671449 (READ-ONLY COPY).

The authoritative reference and input builder live on the scoring server;
editing this copy changes nothing except your own understanding.
"""

import jax, jax.numpy as jnp
import numpy as np

N_AGENTS = 256
OBS_SHAPE = 96
HID_SHAPE = 128
H_DIM = 256
Z_DIM = 64
RATIO = 0.2


def _lin(key, fin, fout, bias=True):
    k1, k2 = jax.random.split(key)
    bound = 1.0 / np.sqrt(fin)
    W = jax.random.uniform(k1, (fout, fin), minval=-bound, maxval=bound, dtype=jnp.float32)
    if bias:
        b = jax.random.uniform(k2, (fout,), minval=-bound, maxval=bound, dtype=jnp.float32)
        return W, b
    return W


def _neighnet_params(key, d_in, nhid, d_out):
    ks = jax.random.split(key, 6)
    W1, b1 = _lin(ks[0], d_in, nhid // 4)
    W2, b2 = _lin(ks[1], nhid // 4, nhid)
    Wrel, pb = _lin(ks[2], nhid, 1)
    Wroot = _lin(ks[3], nhid, 1, bias=False)
    Wa, ba = _lin(ks[4], 2 * nhid, nhid)
    Wb, bb = _lin(ks[5], nhid, d_out)
    return {"W1": W1, "b1": b1, "W2": W2, "b2": b2, "Wrel": Wrel, "Wroot": Wroot, "pb": pb, "Wa": Wa, "ba": ba, "Wb": Wb, "bb": bb}


def setup_inputs(seed: int = 0):
    key = jax.random.key(seed)
    ks = jax.random.split(key, 13)
    obs = jax.random.normal(ks[0], (N_AGENTS, OBS_SHAPE), dtype=jnp.float32)
    hid = jax.random.normal(ks[1], (N_AGENTS, HID_SHAPE), dtype=jnp.float32)
    pos = jax.random.uniform(ks[2], (N_AGENTS, 2), dtype=jnp.float32)
    matrix = jax.random.randint(ks[3], (N_AGENTS, N_AGENTS), 0, 2)
    Wih, bih = _lin(ks[6], OBS_SHAPE, 3 * HID_SHAPE)
    Whh, bhh = _lin(ks[7], HID_SHAPE, 3 * HID_SHAPE)
    We, be = _lin(ks[8], HID_SHAPE, H_DIM)
    Wmu, bmu = _lin(ks[9], H_DIM, Z_DIM)
    Wlv, blv = _lin(ks[10], H_DIM, Z_DIM)
    Wd1, bd1 = _lin(ks[11], Z_DIM + 2, H_DIM)
    Wd2, bd2 = _lin(ks[12], H_DIM, OBS_SHAPE)
    params = {
        "obs_net": _neighnet_params(ks[4], OBS_SHAPE, H_DIM, OBS_SHAPE),
        "hid_net": _neighnet_params(ks[5], HID_SHAPE, H_DIM, HID_SHAPE),
        "gru": {"Wih": Wih, "bih": bih, "Whh": Whh, "bhh": bhh},
        "enc": {"W": We, "b": be},
        "mu": {"W": Wmu, "b": bmu},
        "lv": {"W": Wlv, "b": blv},
        "dec": {"W1": Wd1, "b1": bd1, "W2": Wd2, "b2": bd2},
    }
    return {"obs": obs, "matrix": matrix, "hid": hid, "pos": pos, "params": params}


def _make_struct(matrix):
    N = matrix.shape[0]
    adj = matrix > 0
    maskf = adj.astype(jnp.float32)
    L = 1 + jnp.sum(adj, axis=1).astype(jnp.int32)
    deg = np.arange(1, N + 2).astype(np.float32)
    dinv = 1.0 / np.sqrt(deg)
    dinv2 = dinv[1]
    edge_tab = jnp.asarray(np.concatenate([[0.0], dinv * dinv2]).astype(np.float32))
    cself_tab = jnp.asarray(np.concatenate([[0.0], dinv * dinv]).astype(np.float32))
    lself = jnp.float32(dinv2 * dinv2)
    return (maskf, L, edge_tab[L], cself_tab[L], lself, N)


def _gcn(xg, W, b, maskf, enorm, cnorm, lnorm):
    xw = xg @ W.T
    center = xw[:, 0]
    leaf_msg = (xw[:, 1:] * maskf[:, :, None]) * enorm[:, None, None]
    out_center = leaf_msg.sum(axis=1) + center * cnorm[:, None] + b
    out_leaf = center[:, None, :] * enorm[:, None, None] + xw[:, 1:] * lnorm + b
    return jnp.concatenate([out_center[:, None, :], out_leaf], axis=1)


def _graph_conv_score(x, Wrel, Wroot, pb, maskf):
    xc = x[:, 0]
    aggr_c = (x[:, 1:] * maskf[:, :, None]).sum(axis=1)
    aggr = jnp.concatenate([aggr_c[:, None, :], jnp.broadcast_to(xc[:, None, :], x[:, 1:].shape)], axis=1)
    return (aggr @ Wrel.T + x @ Wroot.T + pb)[:, :, 0]


def _neighnet(data, p, struct):
    maskf, L, enorm, cnorm, lnorm, N = struct
    xg = jnp.concatenate([data[:, None, :], jnp.broadcast_to(data[None, :, :], (N, N, data.shape[1]))], axis=1)
    x = jax.nn.relu(_gcn(xg, p["W1"], p["b1"], maskf, enorm, cnorm, lnorm))
    x = jax.nn.relu(_gcn(x, p["W2"], p["b2"], maskf, enorm, cnorm, lnorm))
    score = _graph_conv_score(x, p["Wrel"], p["Wroot"], p["pb"], maskf)
    node_mask = jnp.concatenate([jnp.ones((N, 1), dtype=bool), maskf > 0], axis=1)
    score = jnp.where(node_mask, score, -jnp.inf)
    K = int(np.ceil(RATIO * (N + 1)))
    vals, idx = jax.lax.top_k(score, K)
    k = jnp.ceil(jnp.asarray(RATIO, jnp.float32) * L.astype(jnp.float32)).astype(jnp.int32)
    sel = jnp.take_along_axis(x, idx[:, :, None], axis=1) * jnp.tanh(vals)[:, :, None]
    valid = jnp.arange(K)[None, :] < k[:, None]
    mx = jnp.where(valid[:, :, None], sel, -jnp.inf).max(axis=1)
    mn = jnp.where(valid[:, :, None], sel, 0.0).sum(axis=1) / k[:, None].astype(jnp.float32)
    x1 = jnp.concatenate([mx, mn], axis=1)
    h = jax.nn.relu(x1 @ p["Wa"].T + p["ba"])
    return h @ p["Wb"].T + p["bb"]


def _vae_forward(obs, hid, pos, params, struct):
    phi = _neighnet(obs, params["obs_net"], struct)
    psi = _neighnet(hid, params["hid_net"], struct)
    g = params["gru"]
    gi = phi @ g["Wih"].T + g["bih"]
    gh = psi @ g["Whh"].T + g["bhh"]
    H = HID_SHAPE
    r = jax.nn.sigmoid(gi[:, :H] + gh[:, :H])
    zg = jax.nn.sigmoid(gi[:, H:2 * H] + gh[:, H:2 * H])
    ng = jnp.tanh(gi[:, 2 * H:] + r * gh[:, 2 * H:])
    next_hid = (1.0 - zg) * ng + zg * psi
    latent = next_hid @ params["enc"]["W"].T + params["enc"]["b"]
    mu = latent @ params["mu"]["W"].T + params["mu"]["b"]
    log_var = latent @ params["lv"]["W"].T + params["lv"]["b"]
    eps = jax.random.normal(jax.random.key(42), mu.shape, dtype=mu.dtype)
    z = mu + jnp.exp(0.5 * log_var) * eps
    d_in = jnp.concatenate([z, pos], axis=-1)
    h = jax.nn.relu(d_in @ params["dec"]["W1"].T + params["dec"]["b1"])
    recon = jax.nn.sigmoid(h @ params["dec"]["W2"].T + params["dec"]["b2"])
    return (recon, next_hid, mu, log_var)


def reference(obs, matrix, hid, pos, params):
    struct = _make_struct(matrix)
    return _vae_forward(obs, hid, pos, params, struct)

if __name__ == "__main__":
    import jax
    _d = setup_inputs()
    print(jax.jit(kernel)(*tuple(_d.values())))

</pallas_src>

<mosaic_0001>
#map = affine_map<(d0, d1) -> (0, 0)>
module attributes {stable_mosaic.version = 14 : i64} {
  func.func @_sc_gather_body(%arg0: i32, %arg1: i32, %arg2: memref<512x128xf32, #tpu.memory_space<hbm>>, %arg3: memref<256x128xi32, #tpu.memory_space<hbm>>, %arg4: memref<28672x128xf32, #tpu.memory_space<hbm>>, %arg5: memref<512x128xf32, #tpu.memory_space<vmem_shared>>, %arg6: memref<8x128xi32, #tpu.memory_space<vmem>>, %arg7: memref<896x128xf32, #tpu.memory_space<vmem>>, %arg8: memref<!tpu.dma_semaphore, #tpu.memory_space<semaphore_mem>>) attributes {dimension_semantics = [#tpu.dimension_semantics<core_parallel>, #tpu.dimension_semantics<subcore_parallel>], iteration_bounds = array<i64: 2, 16>, scalar_prefetch = 0 : i64, scratch_operands = 4 : i64, tpu.core_type = #tpu.core_type<sc_vector_subcore>, window_params = [{transform_indices = #map}, {transform_indices = #map}, {transform_indices = #map}]} {
    %mul3A = arith.constant 2 : i32
    %mul3A_0 = arith.muli %arg1, %mul3A : i32
    %add3A = arith.addi %mul3A_0, %arg0 : i32
    %eq3A = arith.constant 0 : i32
    %eq3A_1 = arith.cmpi eq, %arg1, %eq3A : i32
    %convert_element_type3A = arith.extui %eq3A_1 : i1 to i32
    %cond3A = arith.constant 0 : i32
    %cond3A_2 = arith.cmpi ne, %convert_element_type3A, %cond3A : i32
    scf.if %cond3A_2 {
      "tpu.region"() ({
        %run_scoped3A = tpu.sem_alloc : memref<!tpu.dma_semaphore, #tpu.memory_space<semaphore_mem>>
        tpu.enqueue_dma source(%arg2 : memref<512x128xf32, #tpu.memory_space<hbm>>) target(%arg5 : memref<512x128xf32, #tpu.memory_space<vmem_shared>>) target_semaphore(%run_scoped3A : memref<!tpu.dma_semaphore, #tpu.memory_space<semaphore_mem>>)
        tpu.wait_dma2 semaphore(%run_scoped3A : memref<!tpu.dma_semaphore, #tpu.memory_space<semaphore_mem>>) src(%arg2 : memref<512x128xf32, #tpu.memory_space<hbm>>) dst(%arg5 : memref<512x128xf32, #tpu.memory_space<vmem_shared>>)
        tpu.yield
      }) : () -> ()
    } else {
    }
    %barrier3A = arith.constant 0 : index
    tpu.barrier barrier_id(%barrier3A)
    %mul3A_3 = arith.constant 8 : i32
    %mul3A_4 = arith.muli %add3A, %mul3A_3 : i32
    "tpu.region"() ({
      %run_scoped3A = tpu.sem_alloc : memref<!tpu.dma_semaphore, #tpu.memory_space<semaphore_mem>>
      %dma_start3A_145 = arith.constant 0 : i32
      %dma_start3A_146 = tpu.memref_slice %arg3[%mul3A_4, %dma_start3A_145] : memref<256x128xi32, #tpu.memory_space<hbm>> -> memref<8x128xi32, #tpu.memory_space<hbm>>
      %dma_start3A_147 = arith.constant 0 : i32
      %dma_start3A_148 = tpu.memref_slice %arg3[%mul3A_4, %dma_start3A_147] : memref<256x128xi32, #tpu.memory_space<hbm>> -> memref<8x128xi32, #tpu.memory_space<hbm>>
      tpu.enqueue_dma source(%dma_start3A_148 : memref<8x128xi32, #tpu.memory_space<hbm>>) target(%arg6 : memref<8x128xi32, #tpu.memory_space<vmem>>) target_semaphore(%run_scoped3A : memref<!tpu.dma_semaphore, #tpu.memory_space<semaphore_mem>>)
      %dma_wait3A_149 = arith.constant 0 : i32
      %dma_wait3A_150 = tpu.memref_slice %arg3[%mul3A_4, %dma_wait3A_149] : memref<256x128xi32, #tpu.memory_space<hbm>> -> memref<8x128xi32, #tpu.memory_space<hbm>>
      %dma_wait3A_151 = arith.constant 0 : i32
      %dma_wait3A_152 = tpu.memref_slice %arg3[%mul3A_4, %dma_wait3A_151] : memref<256x128xi32, #tpu.memory_space<hbm>> -> memref<8x128xi32, #tpu.memory_space<hbm>>
      tpu.wait_dma2 semaphore(%run_scoped3A : memref<!tpu.dma_semaphore, #tpu.memory_space<semaphore_mem>>) src(%dma_wait3A_152 : memref<8x128xi32, #tpu.memory_space<hbm>>) dst(%arg6 : memref<8x128xi32, #tpu.memory_space<vmem>>)
      tpu.yield
    }) : () -> ()
    %dma_start3A = arith.constant 0 : i32
    %dma_start3A_5 = arith.constant 0 : i32
    %dma_start3A_6 = arith.constant 0 : i32
    %dma_start3A_7 = tpu.memref_slice %arg7[%dma_start3A_5, %dma_start3A_6] : memref<896x128xf32, #tpu.memory_space<vmem>> -> memref<128x128xf32, #tpu.memory_space<vmem>>
    %dma_start3A_8 = arith.constant 0 : i32
    %dma_start3A_9 = tpu.memref_slice %arg6[%dma_start3A, %dma_start3A_8] : memref<8x128xi32, #tpu.memory_space<vmem>> -> memref<1x128xi32, #tpu.memory_space<vmem>>
    %dma_start3A_10 = tpu.memref_squeeze %dma_start3A_9 : memref<1x128xi32, #tpu.memory_space<vmem>> -> memref<128xi32, #tpu.memory_space<vmem>>
    %dma_start3A_11 = arith.constant 0 : i32
    %dma_start3A_12 = arith.constant 0 : i32
    %dma_start3A_13 = tpu.memref_slice %arg5[%dma_start3A_11, %dma_start3A_12] : memref<512x128xf32, #tpu.memory_space<vmem_shared>> -> memref<512x128xf32, #tpu.memory_space<vmem_shared>>
    tpu.enqueue_indirect_dma source(%dma_start3A_13 : memref<512x128xf32, #tpu.memory_space<vmem_shared>>) target(%dma_start3A_7 : memref<128x128xf32, #tpu.memory_space<vmem>>) offsets(%dma_start3A_10 : memref<128xi32, #tpu.memory_space<vmem>>) semaphore(%arg8 : memref<!tpu.dma_semaphore, #tpu.memory_space<semaphore_mem>>)
    %dma_start3A_14 = arith.constant 1 : i32
    %dma_start3A_15 = arith.constant 128 : i32
    %dma_start3A_16 = arith.constant 0 : i32
    %dma_start3A_17 = tpu.memref_slice %arg7[%dma_start3A_15, %dma_start3A_16] : memref<896x128xf32, #tpu.memory_space<vmem>> -> memref<128x128xf32, #tpu.memory_space<vmem>>
    %dma_start3A_18 = arith.constant 0 : i32
    %dma_start3A_19 = tpu.memref_slice %arg6[%dma_start3A_14, %dma_start3A_18] : memref<8x128xi32, #tpu.memory_space<vmem>> -> memref<1x128xi32, #tpu.memory_space<vmem>>
    %dma_start3A_20 = tpu.memref_squeeze %dma_start3A_19 : memref<1x128xi32, #tpu.memory_space<vmem>> -> memref<128xi32, #tpu.memory_space<vmem>>
    %dma_start3A_21 = arith.constant 0 : i32
    %dma_start3A_22 = arith.constant 0 : i32
    %dma_start3A_23 = tpu.memref_slice %arg5[%dma_start3A_21, %dma_start3A_22] : memref<512x128xf32, #tpu.memory_space<vmem_shared>> -> memref<512x128xf32, #tpu.memory_space<vmem_shared>>
    tpu.enqueue_indirect_dma source(%dma_start3A_23 : memref<512x128xf32, #tpu.memory_space<vmem_shared>>) target(%dma_start3A_17 : memref<128x128xf32, #tpu.memory_space<vmem>>) offsets(%dma_start3A_20 : memref<128xi32, #tpu.memory_space<vmem>>) semaphore(%arg8 : memref<!tpu.dma_semaphore, #tpu.memory_space<semaphore_mem>>)
    %dma_start3A_24 = arith.constant 2 : i32
    %dma_start3A_25 = arith.constant 256 : i32
    %dma_start3A_26 = arith.constant 0 : i32
    %dma_start3A_27 = tpu.memref_slice %arg7[%dma_start3A_25, %dma_start3A_26] : memref<896x128xf32, #tpu.memory_space<vmem>> -> memref<128x128xf32, #tpu.memory_space<vmem>>
    %dma_start3A_28 = arith.constant 0 : i32
    %dma_start3A_29 = tpu.memref_slice %arg6[%dma_start3A_24, %dma_start3A_28] : memref<8x128xi32, #tpu.memory_space<vmem>> -> memref<1x128xi32, #tpu.memory_space<vmem>>
    %dma_start3A_30 = tpu.memref_squeeze %dma_start3A_29 : memref<1x128xi32, #tpu.memory_space<vmem>> -> memref<128xi32, #tpu.memory_space<vmem>>
    %dma_start3A_31 = arith.constant 0 : i32
    %dma_start3A_32 = arith.constant 0 : i32
    %dma_start3A_33 = tpu.memref_slice %arg5[%dma_start3A_31, %dma_start3A_32] : memref<512x128xf32, #tpu.memory_space<vmem_shared>> -> memref<512x128xf32, #tpu.memory_space<vmem_shared>>
    tpu.enqueue_indirect_dma source(%dma_start3A_33 : memref<512x128xf32, #tpu.memory_space<vmem_shared>>) target(%dma_start3A_27 : memref<128x128xf32, #tpu.memory_space<vmem>>) offsets(%dma_start3A_30 : memref<128xi32, #tpu.memory_space<vmem>>) semaphore(%arg8 : memref<!tpu.dma_semaphore, #tpu.memory_space<semaphore_mem>>)
    %dma_start3A_34 = arith.constant 3 : i32
    %dma_start3A_35 = arith.constant 384 : i32
    %dma_start3A_36 = arith.constant 0 : i32
    %dma_start3A_37 = tpu.memref_slice %arg7[%dma_start3A_35, %dma_start3A_36] : memref<896x128xf32, #tpu.memory_space<vmem>> -> memref<128x128xf32, #tpu.memory_space<vmem>>
    %dma_start3A_38 = arith.constant 0 : i32
    %dma_start3A_39 = tpu.memref_slice %arg6[%dma_start3A_34, %dma_start3A_38] : memref<8x128xi32, #tpu.memory_space<vmem>> -> memref<1x128xi32, #tpu.memory_space<vmem>>
    %dma_start3A_40 = tpu.memref_squeeze %dma_start3A_39 : memref<1x128xi32, #tpu.memory_space<vmem>> -> memref<128xi32, #tpu.memory_space<vmem>>
    %dma_start3A_41 = arith.constant 0 : i32
    %dma_start3A_42 = arith.constant 0 : i32
    %dma_start3A_43 = tpu.memref_slice %arg5[%dma_start3A_41, %dma_start3A_42] : memref<512x128xf32, #tpu.memory_space<vmem_shared>> -> memref<512x128xf32, #tpu.memory_space<vmem_shared>>
    tpu.enqueue_indirect_dma source(%dma_start3A_43 : memref<512x128xf32, #tpu.memory_space<vmem_shared>>) target(%dma_start3A_37 : memref<128x128xf32, #tpu.memory_space<vmem>>) offsets(%dma_start3A_40 : memref<128xi32, #tpu.memory_space<vmem>>) semaphore(%arg8 : memref<!tpu.dma_semaphore, #tpu.memory_space<semaphore_mem>>)
    %dma_start3A_44 = arith.constant 4 : i32
    %dma_start3A_45 = arith.constant 512 : i32
    %dma_start3A_46 = arith.constant 0 : i32
    %dma_start3A_47 = tpu.memref_slice %arg7[%dma_start3A_45, %dma_start3A_46] : memref<896x128xf32, #tpu.memory_space<vmem>> -> memref<128x128xf32, #tpu.memory_space<vmem>>
    %dma_start3A_48 = arith.constant 0 : i32
    %dma_start3A_49 = tpu.memref_slice %arg6[%dma_start3A_44, %dma_start3A_48] : memref<8x128xi32, #tpu.memory_space<vmem>> -> memref<1x128xi32, #tpu.memory_space<vmem>>
    %dma_start3A_50 = tpu.memref_squeeze %dma_start3A_49 : memref<1x128xi32, #tpu.memory_space<vmem>> -> memref<128xi32, #tpu.memory_space<vmem>>
    %dma_start3A_51 = arith.constant 0 : i32
    %dma_start3A_52 = arith.constant 0 : i32
    %dma_start3A_53 = tpu.memref_slice %arg5[%dma_start3A_51, %dma_start3A_52] : memref<512x128xf32, #tpu.memory_space<vmem_shared>> -> memref<512x128xf32, #tpu.memory_space<vmem_shared>>
    tpu.enqueue_indirect_dma source(%dma_start3A_53 : memref<512x128xf32, #tpu.memory_space<vmem_shared>>) target(%dma_start3A_47 : memref<128x128xf32, #tpu.memory_space<vmem>>) offsets(%dma_start3A_50 : memref<128xi32, #tpu.memory_space<vmem>>) semaphore(%arg8 : memref<!tpu.dma_semaphore, #tpu.memory_space<semaphore_mem>>)
    %dma_start3A_54 = arith.constant 5 : i32
    %dma_start3A_55 = arith.constant 640 : i32
    %dma_start3A_56 = arith.constant 0 : i32
    %dma_start3A_57 = tpu.memref_slice %arg7[%dma_start3A_55, %dma_start3A_56] : memref<896x128xf32, #tpu.memory_space<vmem>> -> memref<128x128xf32, #tpu.memory_space<vmem>>
    %dma_start3A_58 = arith.constant 0 : i32
    %dma_start3A_59 = tpu.memref_slice %arg6[%dma_start3A_54, %dma_start3A_58] : memref<8x128xi32, #tpu.memory_space<vmem>> -> memref<1x128xi32, #tpu.memory_space<vmem>>
    %dma_start3A_60 = tpu.memref_squeeze %dma_start3A_59 : memref<1x128xi32, #tpu.memory_space<vmem>> -> memref<128xi32, #tpu.memory_space<vmem>>
    %dma_start3A_61 = arith.constant 0 : i32
    %dma_start3A_62 = arith.constant 0 : i32
    %dma_start3A_63 = tpu.memref_slice %arg5[%dma_start3A_61, %dma_start3A_62] : memref<512x128xf32, #tpu.memory_space<vmem_shared>> -> memref<512x128xf32, #tpu.memory_space<vmem_shared>>
    tpu.enqueue_indirect_dma source(%dma_start3A_63 : memref<512x128xf32, #tpu.memory_space<vmem_shared>>) target(%dma_start3A_57 : memref<128x128xf32, #tpu.memory_space<vmem>>) offsets(%dma_start3A_60 : memref<128xi32, #tpu.memory_space<vmem>>) semaphore(%arg8 : memref<!tpu.dma_semaphore, #tpu.memory_space<semaphore_mem>>)
    %dma_start3A_64 = arith.constant 6 : i32
    %dma_start3A_65 = arith.constant 768 : i32
    %dma_start3A_66 = arith.constant 0 : i32
    %dma_start3A_67 = tpu.memref_slice %arg7[%dma_start3A_65, %dma_start3A_66] : memref<896x128xf32, #tpu.memory_space<vmem>> -> memref<128x128xf32, #tpu.memory_space<vmem>>
    %dma_start3A_68 = arith.constant 0 : i32
    %dma_start3A_69 = tpu.memref_slice %arg6[%dma_start3A_64, %dma_start3A_68] : memref<8x128xi32, #tpu.memory_space<vmem>> -> memref<1x128xi32, #tpu.memory_space<vmem>>
    %dma_start3A_70 = tpu.memref_squeeze %dma_start3A_69 : memref<1x128xi32, #tpu.memory_space<vmem>> -> memref<128xi32, #tpu.memory_space<vmem>>
    %dma_start3A_71 = arith.constant 0 : i32
    %dma_start3A_72 = arith.constant 0 : i32
    %dma_start3A_73 = tpu.memref_slice %arg5[%dma_start3A_71, %dma_start3A_72] : memref<512x128xf32, #tpu.memory_space<vmem_shared>> -> memref<512x128xf32, #tpu.memory_space<vmem_shared>>
    tpu.enqueue_indirect_dma source(%dma_start3A_73 : memref<512x128xf32, #tpu.memory_space<vmem_shared>>) target(%dma_start3A_67 : memref<128x128xf32, #tpu.memory_space<vmem>>) offsets(%dma_start3A_70 : memref<128xi32, #tpu.memory_space<vmem>>) semaphore(%arg8 : memref<!tpu.dma_semaphore, #tpu.memory_space<semaphore_mem>>)
    %dma_wait3A = arith.constant 0 : i32
    %dma_wait3A_74 = arith.constant 0 : i32
    %dma_wait3A_75 = arith.constant 0 : i32
    %dma_wait3A_76 = tpu.memref_slice %arg7[%dma_wait3A_74, %dma_wait3A_75] : memref<896x128xf32, #tpu.memory_space<vmem>> -> memref<128x128xf32, #tpu.memory_space<vmem>>
    %dma_wait3A_77 = arith.constant 0 : i32
    %dma_wait3A_78 = tpu.memref_slice %arg6[%dma_wait3A, %dma_wait3A_77] : memref<8x128xi32, #tpu.memory_space<vmem>> -> memref<1x128xi32, #tpu.memory_space<vmem>>
    %dma_wait3A_79 = tpu.memref_squeeze %dma_wait3A_78 : memref<1x128xi32, #tpu.memory_space<vmem>> -> memref<128xi32, #tpu.memory_space<vmem>>
    %dma_wait3A_80 = arith.constant 0 : i32
    %dma_wait3A_81 = arith.constant 0 : i32
    %dma_wait3A_82 = tpu.memref_slice %arg5[%dma_wait3A_80, %dma_wait3A_81] : memref<512x128xf32, #tpu.memory_space<vmem_shared>> -> memref<512x128xf32, #tpu.memory_space<vmem_shared>>
    tpu.wait_indirect_dma semaphore(%arg8 : memref<!tpu.dma_semaphore, #tpu.memory_space<semaphore_mem>>) src(%dma_wait3A_82 : memref<512x128xf32, #tpu.memory_space<vmem_shared>>) dst(%dma_wait3A_76 : memref<128x128xf32, #tpu.memory_space<vmem>>)
    %dma_wait3A_83 = arith.constant 1 : i32
    %dma_wait3A_84 = arith.constant 128 : i32
    %dma_wait3A_85 = arith.constant 0 : i32
    %dma_wait3A_86 = tpu.memref_slice %arg7[%dma_wait3A_84, %dma_wait3A_85] : memref<896x128xf32, #tpu.memory_space<vmem>> -> memref<128x128xf32, #tpu.memory_space<vmem>>
    %dma_wait3A_87 = arith.constant 0 : i32
    %dma_wait3A_88 = tpu.memref_slice %arg6[%dma_wait3A_83, %dma_wait3A_87] : memref<8x128xi32, #tpu.memory_space<vmem>> -> memref<1x128xi32, #tpu.memory_space<vmem>>
    %dma_wait3A_89 = tpu.memref_squeeze %dma_wait3A_88 : memref<1x128xi32, #tpu.memory_space<vmem>> -> memref<128xi32, #tpu.memory_space<vmem>>
    %dma_wait3A_90 = arith.constant 0 : i32
    %dma_wait3A_91 = arith.constant 0 : i32
    %dma_wait3A_92 = tpu.memref_slice %arg5[%dma_wait3A_90, %dma_wait3A_91] : memref<512x128xf32, #tpu.memory_space<vmem_shared>> -> memref<512x128xf32, #tpu.memory_space<vmem_shared>>
    tpu.wait_indirect_dma semaphore(%arg8 : memref<!tpu.dma_semaphore, #tpu.memory_space<semaphore_mem>>) src(%dma_wait3A_92 : memref<512x128xf32, #tpu.memory_space<vmem_shared>>) dst(%dma_wait3A_86 : memref<128x128xf32, #tpu.memory_space<vmem>>)
    %dma_wait3A_93 = arith.constant 2 : i32
    %dma_wait3A_94 = arith.constant 256 : i32
    %dma_wait3A_95 = arith.constant 0 : i32
    %dma_wait3A_96 = tpu.memref_slice %arg7[%dma_wait3A_94, %dma_wait3A_95] : memref<896x128xf32, #tpu.memory_space<vmem>> -> memref<128x128xf32, #tpu.memory_space<vmem>>
    %dma_wait3A_97 = arith.constant 0 : i32
    %dma_wait3A_98 = tpu.memref_slice %arg6[%dma_wait3A_93, %dma_wait3A_97] : memref<8x128xi32, #tpu.memory_space<vmem>> -> memref<1x128xi32, #tpu.memory_space<vmem>>
    %dma_wait3A_99 = tpu.memref_squeeze %dma_wait3A_98 : memref<1x128xi32, #tpu.memory_space<vmem>> -> memref<128xi32, #tpu.memory_space<vmem>>
    %dma_wait3A_100 = arith.constant 0 : i32
    %dma_wait3A_101 = arith.constant 0 : i32
    %dma_wait3A_102 = tpu.memref_slice %arg5[%dma_wait3A_100, %dma_wait3A_101] : memref<512x128xf32, #tpu.memory_space<vmem_shared>> -> memref<512x128xf32, #tpu.memory_space<vmem_shared>>
    tpu.wait_indirect_dma semaphore(%arg8 : memref<!tpu.dma_semaphore, #tpu.memory_space<semaphore_mem>>) src(%dma_wait3A_102 : memref<512x128xf32, #tpu.memory_space<vmem_shared>>) dst(%dma_wait3A_96 : memref<128x128xf32, #tpu.memory_space<vmem>>)
    %dma_wait3A_103 = arith.constant 3 : i32
    %dma_wait3A_104 = arith.constant 384 : i32
    %dma_wait3A_105 = arith.constant 0 : i32
    %dma_wait3A_106 = tpu.memref_slice %arg7[%dma_wait3A_104, %dma_wait3A_105] : memref<896x128xf32, #tpu.memory_space<vmem>> -> memref<128x128xf32, #tpu.memory_space<vmem>>
    %dma_wait3A_107 = arith.constant 0 : i32
    %dma_wait3A_108 = tpu.memref_slice %arg6[%dma_wait3A_103, %dma_wait3A_107] : memref<8x128xi32, #tpu.memory_space<vmem>> -> memref<1x128xi32, #tpu.memory_space<vmem>>
    %dma_wait3A_109 = tpu.memref_squeeze %dma_wait3A_108 : memref<1x128xi32, #tpu.memory_space<vmem>> -> memref<128xi32, #tpu.memory_space<vmem>>
    %dma_wait3A_110 = arith.constant 0 : i32
    %dma_wait3A_111 = arith.constant 0 : i32
    %dma_wait3A_112 = tpu.memref_slice %arg5[%dma_wait3A_110, %dma_wait3A_111] : memref<512x128xf32, #tpu.memory_space<vmem_shared>> -> memref<512x128xf32, #tpu.memory_space<vmem_shared>>
    tpu.wait_indirect_dma semaphore(%arg8 : memref<!tpu.dma_semaphore, #tpu.memory_space<semaphore_mem>>) src(%dma_wait3A_112 : memref<512x128xf32, #tpu.memory_space<vmem_shared>>) dst(%dma_wait3A_106 : memref<128x128xf32, #tpu.memory_space<vmem>>)
    %dma_wait3A_113 = arith.constant 4 : i32
    %dma_wait3A_114 = arith.constant 512 : i32
    %dma_wait3A_115 = arith.constant 0 : i32
    %dma_wait3A_116 = tpu.memref_slice %arg7[%dma_wait3A_114, %dma_wait3A_115] : memref<896x128xf32, #tpu.memory_space<vmem>> -> memref<128x128xf32, #tpu.memory_space<vmem>>
    %dma_wait3A_117 = arith.constant 0 : i32
    %dma_wait3A_118 = tpu.memref_slice %arg6[%dma_wait3A_113, %dma_wait3A_117] : memref<8x128xi32, #tpu.memory_space<vmem>> -> memref<1x128xi32, #tpu.memory_space<vmem>>
    %dma_wait3A_119 = tpu.memref_squeeze %dma_wait3A_118 : memref<1x128xi32, #tpu.memory_space<vmem>> -> memref<128xi32, #tpu.memory_space<vmem>>
    %dma_wait3A_120 = arith.constant 0 : i32
    %dma_wait3A_121 = arith.constant 0 : i32
    %dma_wait3A_122 = tpu.memref_slice %arg5[%dma_wait3A_120, %dma_wait3A_121] : memref<512x128xf32, #tpu.memory_space<vmem_shared>> -> memref<512x128xf32, #tpu.memory_space<vmem_shared>>
    tpu.wait_indirect_dma semaphore(%arg8 : memref<!tpu.dma_semaphore, #tpu.memory_space<semaphore_mem>>) src(%dma_wait3A_122 : memref<512x128xf32, #tpu.memory_space<vmem_shared>>) dst(%dma_wait3A_116 : memref<128x128xf32, #tpu.memory_space<vmem>>)
    %dma_wait3A_123 = arith.constant 5 : i32
    %dma_wait3A_124 = arith.constant 640 : i32
    %dma_wait3A_125 = arith.constant 0 : i32
    %dma_wait3A_126 = tpu.memref_slice %arg7[%dma_wait3A_124, %dma_wait3A_125] : memref<896x128xf32, #tpu.memory_space<vmem>> -> memref<128x128xf32, #tpu.memory_space<vmem>>
    %dma_wait3A_127 = arith.constant 0 : i32
    %dma_wait3A_128 = tpu.memref_slice %arg6[%dma_wait3A_123, %dma_wait3A_127] : memref<8x128xi32, #tpu.memory_space<vmem>> -> memref<1x128xi32, #tpu.memory_space<vmem>>
    %dma_wait3A_129 = tpu.memref_squeeze %dma_wait3A_128 : memref<1x128xi32, #tpu.memory_space<vmem>> -> memref<128xi32, #tpu.memory_space<vmem>>
    %dma_wait3A_130 = arith.constant 0 : i32
    %dma_wait3A_131 = arith.constant 0 : i32
    %dma_wait3A_132 = tpu.memref_slice %arg5[%dma_wait3A_130, %dma_wait3A_131] : memref<512x128xf32, #tpu.memory_space<vmem_shared>> -> memref<512x128xf32, #tpu.memory_space<vmem_shared>>
    tpu.wait_indirect_dma semaphore(%arg8 : memref<!tpu.dma_semaphore, #tpu.memory_space<semaphore_mem>>) src(%dma_wait3A_132 : memref<512x128xf32, #tpu.memory_space<vmem_shared>>) dst(%dma_wait3A_126 : memref<128x128xf32, #tpu.memory_space<vmem>>)
    %dma_wait3A_133 = arith.constant 6 : i32
    %dma_wait3A_134 = arith.constant 768 : i32
    %dma_wait3A_135 = arith.constant 0 : i32
    %dma_wait3A_136 = tpu.memref_slice %arg7[%dma_wait3A_134, %dma_wait3A_135] : memref<896x128xf32, #tpu.memory_space<vmem>> -> memref<128x128xf32, #tpu.memory_space<vmem>>
    %dma_wait3A_137 = arith.constant 0 : i32
    %dma_wait3A_138 = tpu.memref_slice %arg6[%dma_wait3A_133, %dma_wait3A_137] : memref<8x128xi32, #tpu.memory_space<vmem>> -> memref<1x128xi32, #tpu.memory_space<vmem>>
    %dma_wait3A_139 = tpu.memref_squeeze %dma_wait3A_138 : memref<1x128xi32, #tpu.memory_space<vmem>> -> memref<128xi32, #tpu.memory_space<vmem>>
    %dma_wait3A_140 = arith.constant 0 : i32
    %dma_wait3A_141 = arith.constant 0 : i32
    %dma_wait3A_142 = tpu.memref_slice %arg5[%dma_wait3A_140, %dma_wait3A_141] : memref<512x128xf32, #tpu.memory_space<vmem_shared>> -> memref<512x128xf32, #tpu.memory_space<vmem_shared>>
    tpu.wait_indirect_dma semaphore(%arg8 : memref<!tpu.dma_semaphore, #tpu.memory_space<semaphore_mem>>) src(%dma_wait3A_142 : memref<512x128xf32, #tpu.memory_space<vmem_shared>>) dst(%dma_wait3A_136 : memref<128x128xf32, #tpu.memory_space<vmem>>)
    %mul3A_143 = arith.constant 896 : i32
    %mul3A_144 = arith.muli %add3A, %mul3A_143 : i32
    "tpu.region"() ({
      %run_scoped3A = tpu.sem_alloc : memref<!tpu.dma_semaphore, #tpu.memory_space<semaphore_mem>>
      %dma_start3A_145 = arith.constant 0 : i32
      %dma_start3A_146 = tpu.memref_slice %arg4[%mul3A_144, %dma_start3A_145] : memref<28672x128xf32, #tpu.memory_space<hbm>> -> memref<896x128xf32, #tpu.memory_space<hbm>>
      %dma_start3A_147 = arith.constant 0 : i32
      %dma_start3A_148 = tpu.memref_slice %arg4[%mul3A_144, %dma_start3A_147] : memref<28672x128xf32, #tpu.memory_space<hbm>> -> memref<896x128xf32, #tpu.memory_space<hbm>>
      tpu.enqueue_dma source(%arg7 : memref<896x128xf32, #tpu.memory_space<vmem>>) target(%dma_start3A_148 : memref<896x128xf32, #tpu.memory_space<hbm>>) target_semaphore(%run_scoped3A : memref<!tpu.dma_semaphore, #tpu.memory_space<semaphore_mem>>)
      %dma_wait3A_149 = arith.constant 0 : i32
      %dma_wait3A_150 = tpu.memref_slice %arg4[%mul3A_144, %dma_wait3A_149] : memref<28672x128xf32, #tpu.memory_space<hbm>> -> memref<896x128xf32, #tpu.memory_space<hbm>>
      %dma_wait3A_151 = arith.constant 0 : i32
      %dma_wait3A_152 = tpu.memref_slice %arg4[%mul3A_144, %dma_wait3A_151] : memref<28672x128xf32, #tpu.memory_space<hbm>> -> memref<896x128xf32, #tpu.memory_space<hbm>>
      tpu.wait_dma2 semaphore(%run_scoped3A : memref<!tpu.dma_semaphore, #tpu.memory_space<semaphore_mem>>) src(%arg7 : memref<896x128xf32, #tpu.memory_space<vmem>>) dst(%dma_wait3A_152 : memref<896x128xf32, #tpu.memory_space<hbm>>)
      tpu.yield
    }) : () -> ()
    return
  }
}

module attributes {stable_mosaic.version = 14 : i64} {
  func.func @_encoder_kernel(%arg0: i32, %arg1: i32, %arg2: memref<256x256xi32, #tpu.memory_space<vmem>>, %arg3: memref<1x256x128xf32, #tpu.memory_space<vmem>>, %arg4: memref<1x128x64xf32, #tpu.memory_space<vmem>>, %arg5: memref<1x1x64xf32, #tpu.memory_space<vmem>>, %arg6: memref<1x64x256xf32, #tpu.memory_space<vmem>>, %arg7: memref<1x1x256xf32, #tpu.memory_space<vmem>>, %arg8: memref<1x1x256xf32, #tpu.memory_space<vmem>>, %arg9: memref<1x1x256xf32, #tpu.memory_space<vmem>>, %arg10: memref<1x1x256xf32, #tpu.memory_space<vmem>>, %arg11: memref<1x256x128xf32, #tpu.memory_space<vmem>>, %arg12: memref<1x256x64xf32, #tpu.memory_space<vmem>>, %arg13: memref<1x256x64xf32, #tpu.memory_space<vmem>>, %arg14: memref<1x256x256xf32, #tpu.memory_space<vmem>>, %arg15: memref<1x256x256xf32, #tpu.memory_space<vmem>>, %arg16: memref<1x56x256xf32, #tpu.memory_space<vmem>>, %arg17: memref<1x56x256xi32, #tpu.memory_space<vmem>>, %arg18: memref<256x56xf32, #tpu.memory_space<vmem>>, %arg19: memref<256x256xf32, #tpu.memory_space<vmem>>, %arg20: memref<256x256xf32, #tpu.memory_space<vmem>>, %arg21: memref<256x256xf32, #tpu.memory_space<vmem>>, %arg22: memref<256x8xf32, #tpu.memory_space<vmem>>, %arg23: memref<256x256xf32, #tpu.memory_space<vmem>>) attributes {dimension_semantics = [#tpu.dimension_semantics<arbitrary>, #tpu.dimension_semantics<arbitrary>], iteration_bounds = array<i64: 2, 10>, scalar_prefetch = 0 : i64, scratch_operands = 5 : i64, tpu.core_type = #tpu.core_type<tc>, window_params = [{pipeline_mode = #tpu.pipeline_mode<synchronous>, transform_indices = @transform_0, window_bounds = array<i64: 256, 256>}, {transform_indices = @transform_1, window_bounds = array<i64: 1, 256, 128>}, {transform_indices = @transform_2, window_bounds = array<i64: 1, 128, 64>}, {transform_indices = @transform_3, window_bounds = array<i64: 1, 1, 64>}, {transform_indices = @transform_4, window_bounds = array<i64: 1, 64, 256>}, {transform_indices = @transform_5, window_bounds = array<i64: 1, 1, 256>}, {transform_indices = @transform_6, window_bounds = array<i64: 1, 1, 256>}, {transform_indices = @transform_7, window_bounds = array<i64: 1, 1, 256>}, {transform_indices = @transform_8, window_bounds = array<i64: 1, 1, 256>}, {transform_indices = @transform_9, window_bounds = array<i64: 1, 256, 128>}, {transform_indices = @transform_10, window_bounds = array<i64: 1, 256, 64>}, {transform_indices = @transform_11, window_bounds = array<i64: 1, 256, 64>}, {transform_indices = @transform_12, window_bounds = array<i64: 1, 256, 256>}, {transform_indices = @transform_13, window_bounds = array<i64: 1, 256, 256>}, {transform_indices = @transform_14, window_bounds = array<i64: 1, 56, 256>}, {transform_indices = @transform_15, window_bounds = array<i64: 1, 56, 256>}, {pipeline_mode = #tpu.pipeline_mode<synchronous>, transform_indices = @transform_16, window_bounds = array<i64: 256, 56>}]} {
    %eq3A = arith.constant 0 : i32
    %eq3A_0 = arith.cmpi eq, %arg1, %eq3A : i32
    %convert_element_type3A = arith.extui %eq3A_0 : i1 to i32
    %cond3A = arith.constant 0 : i32
    %cond3A_1 = arith.cmpi ne, %convert_element_type3A, %cond3A : i32
    scf.if %cond3A_1 {
      %get3A = arith.constant 0 : index
      %get3A_12 = arith.constant 0 : index
      %get3A_13 = vector.load %arg2[%get3A, %get3A_12] : memref<256x256xi32, #tpu.memory_space<vmem>>, vector<256x256xi32>
      %gt3A_14 = arith.constant 0 : i32
      %gt3A_15 = vector.broadcast %gt3A_14 : i32 to vector<256x256xi32>
      %gt3A_16 = arith.cmpi sgt, %get3A_13, %gt3A_15 : vector<256x256xi32>
      %convert_element_type3A_17 = arith.extui %gt3A_16 : vector<256x256xi1> to vector<256x256xi32>
      %convert_element_type3A_18 = arith.sitofp %convert_element_type3A_17 : vector<256x256xi32> to vector<256x256xf32>
      %swap3A = arith.constant 0 : index
      %swap3A_19 = arith.constant 0 : index
      %swap3A_20 = vector.load %arg19[%swap3A, %swap3A_19] : memref<256x256xf32, #tpu.memory_space<vmem>>, vector<256x256xf32>
      tpu.vector_store %arg19[%swap3A, %swap3A_19], %convert_element_type3A_18 {strides = array<i32>} : memref<256x256xf32, #tpu.memory_space<vmem>>, vector<256x256xf32>,
      %reduce_sum3A = arith.constant dense<0.000000e+00> : vector<256xf32>
      %reduce_sum3A_21 = vector.multi_reduction <add>, %convert_element_type3A_18, %reduce_sum3A [1] : vector<256x256xf32> to vector<256xf32>
      %add3A = arith.constant 1.000000e+00 : f32
      %add3A_22 = vector.broadcast %add3A : f32 to vector<256xf32>
      %add3A_23 = arith.addf %reduce_sum3A_21, %add3A_22 : vector<256xf32>
      %sqrt3A = math.sqrt %add3A_23 : vector<256xf32>
      %div3A = arith.constant 1.000000e+00 : f32
      %div3A_24 = vector.broadcast %div3A : f32 to vector<256xf32>
      %div3A_25 = arith.divf %div3A_24, %sqrt3A : vector<256xf32>
      %mul3A = arith.constant 0.707106769 : f32
      %mul3A_26 = vector.broadcast %mul3A : f32 to vector<256xf32>
      %mul3A_27 = arith.mulf %div3A_25, %mul3A_26 : vector<256xf32>
      %broadcast_in_dim3A = vector.shape_cast %mul3A_27 : vector<256xf32> to vector<256x1xf32>
      %mul3A_28 = arith.mulf %div3A_25, %div3A_25 : vector<256xf32>
      %broadcast_in_dim3A_29 = vector.shape_cast %mul3A_28 : vector<256xf32> to vector<256x1xf32>
      %mul3A_30 = arith.constant 2.000000e-01 : f32
      %mul3A_31 = vector.broadcast %mul3A_30 : f32 to vector<256xf32>
      %mul3A_32 = arith.mulf %mul3A_31, %add3A_23 : vector<256xf32>
      %ceil3A = math.ceil %mul3A_32 : vector<256xf32>
      %broadcast_in_dim3A_33 = vector.shape_cast %ceil3A : vector<256xf32> to vector<256x1xf32>
      %broadcast_in_dim3A_34 = vector.shape_cast %broadcast_in_dim3A_33 : vector<256x1xf32> to vector<256x1xf32>
      %broadcast_in_dim3A_35 = vector.broadcast %broadcast_in_dim3A_34 : vector<256x1xf32> to vector<256x56xf32>
      %swap3A_36 = arith.constant 0 : index
      %swap3A_37 = arith.constant 0 : index
      %swap3A_38 = vector.load %arg18[%swap3A_36, %swap3A_37] : memref<256x56xf32, #tpu.memory_space<vmem>>, vector<256x56xf32>
      tpu.vector_store %arg18[%swap3A_36, %swap3A_37], %broadcast_in_dim3A_35 {strides = array<i32>} : memref<256x56xf32, #tpu.memory_space<vmem>>, vector<256x56xf32>,
      %get3A_39 = arith.constant 0 : index
      %get3A_40 = arith.constant 0 : index
      %get3A_41 = arith.constant 0 : index
      %get3A_42 = vector.load %arg3[%get3A_39, %get3A_40, %get3A_41] : memref<1x256x128xf32, #tpu.memory_space<vmem>>, vector<1x256x128xf32>
      %get3A_43 = vector.shape_cast %get3A_42 : vector<1x256x128xf32> to vector<256x128xf32>
      %get3A_44 = arith.constant 0 : index
      %get3A_45 = arith.constant 0 : index
      %get3A_46 = arith.constant 0 : index
      %get3A_47 = vector.load %arg4[%get3A_44, %get3A_45, %get3A_46] : memref<1x128x64xf32, #tpu.memory_space<vmem>>, vector<1x128x64xf32>
      %get3A_48 = vector.shape_cast %get3A_47 : vector<1x128x64xf32> to vector<128x64xf32>
      %dot_general3A = arith.constant dense<0.000000e+00> : vector<256x64xf32>
      %dot_general3A_49 = tpu.matmul %get3A_43, %get3A_48, %dot_general3A {dimension_numbers = #tpu.dot_dimension_numbers<[1], [0], [0], [1], [0, 0, 1, 1], [], []>, transpose_lhs_hint = false} : vector<256x128xf32>, vector<128x64xf32>, vector<256x64xf32> -> vector<256x64xf32>
      %dot_general3A_50 = arith.constant dense<0.000000e+00> : vector<256x64xf32>
      %dot_general3A_51 = tpu.matmul %convert_element_type3A_18, %dot_general3A_49, %dot_general3A_50 {dimension_numbers = #tpu.dot_dimension_numbers<[1], [0], [0], [1], [0, 0, 1, 1], [], []>, transpose_lhs_hint = false} : vector<256x256xf32>, vector<256x64xf32>, vector<256x64xf32> -> vector<256x64xf32>
      %get3A_52 = arith.constant 0 : index
      %get3A_53 = arith.constant 0 : index
      %get3A_54 = arith.constant 0 : index
      %get3A_55 = vector.load %arg5[%get3A_52, %get3A_53, %get3A_54] : memref<1x1x64xf32, #tpu.memory_space<vmem>>, vector<1x1x64xf32>
      %get3A_56 = vector.shape_cast %get3A_55 : vector<1x1x64xf32> to vector<64xf32>
      %broadcast_in_dim3A_57 = vector.shape_cast %get3A_56 : vector<64xf32> to vector<1x64xf32>
      %mul3A_58 = vector.broadcast %broadcast_in_dim3A : vector<256x1xf32> to vector<256x64xf32>
      %mul3A_59 = arith.mulf %dot_general3A_51, %mul3A_58 : vector<256x64xf32>
      %mul3A_60 = vector.broadcast %broadcast_in_dim3A_29 : vector<256x1xf32> to vector<256x64xf32>
      %mul3A_61 = arith.mulf %dot_general3A_49, %mul3A_60 : vector<256x64xf32>
      %add3A_62 = arith.addf %mul3A_59, %mul3A_61 : vector<256x64xf32>
      %add3A_63 = vector.broadcast %broadcast_in_dim3A_57 : vector<1x64xf32> to vector<256x64xf32>
      %add3A_64 = arith.addf %add3A_62, %add3A_63 : vector<256x64xf32>
      %max3A = arith.constant 0.000000e+00 : f32
      %max3A_65 = vector.broadcast %max3A : f32 to vector<256x64xf32>
      %max3A_66 = arith.maximumf %add3A_64, %max3A_65 : vector<256x64xf32>
      %get3A_67 = arith.constant 0 : index
      %get3A_68 = arith.constant 0 : index
      %get3A_69 = arith.constant 0 : index
      %get3A_70 = vector.load %arg6[%get3A_67, %get3A_68, %get3A_69] : memref<1x64x256xf32, #tpu.memory_space<vmem>>, vector<1x64x256xf32>
      %get3A_71 = vector.shape_cast %get3A_70 : vector<1x64x256xf32> to vector<64x256xf32>
      %dot_general3A_72 = arith.constant dense<0.000000e+00> : vector<256x256xf32>
      %dot_general3A_73 = tpu.matmul %max3A_66, %get3A_71, %dot_general3A_72 {dimension_numbers = #tpu.dot_dimension_numbers<[1], [0], [0], [1], [0, 0, 1, 1], [], []>, transpose_lhs_hint = false} : vector<256x64xf32>, vector<64x256xf32>, vector<256x256xf32> -> vector<256x256xf32>
      %mul3A_74 = vector.broadcast %broadcast_in_dim3A : vector<256x1xf32> to vector<256x64xf32>
      %mul3A_75 = arith.mulf %dot_general3A_49, %mul3A_74 : vector<256x64xf32>
      %add3A_76 = vector.broadcast %broadcast_in_dim3A_57 : vector<1x64xf32> to vector<256x64xf32>
      %add3A_77 = arith.addf %mul3A_75, %add3A_76 : vector<256x64xf32>
      %swap3A_78 = arith.constant 0 : index
      %swap3A_79 = arith.constant 0 : index
      %swap3A_80 = arith.constant 0 : index
      %swap3A_81 = vector.load %arg12[%swap3A_78, %swap3A_79, %swap3A_80] : memref<1x256x64xf32, #tpu.memory_space<vmem>>, vector<1x256x64xf32>
      %swap3A_82 = vector.shape_cast %swap3A_81 : vector<1x256x64xf32> to vector<256x64xf32>
      %swap3A_83 = vector.shape_cast %add3A_77 : vector<256x64xf32> to vector<1x256x64xf32>
      tpu.vector_store %arg12[%swap3A_78, %swap3A_79, %swap3A_80], %swap3A_83 {strides = array<i32>} : memref<1x256x64xf32, #tpu.memory_space<vmem>>, vector<1x256x64xf32>,
      %mul3A_84 = arith.constant 0.49999997 : f32
      %mul3A_85 = vector.broadcast %mul3A_84 : f32 to vector<256x64xf32>
      %mul3A_86 = arith.mulf %dot_general3A_49, %mul3A_85 : vector<256x64xf32>
      %swap3A_87 = arith.constant 0 : index
      %swap3A_88 = arith.constant 0 : index
      %swap3A_89 = arith.constant 0 : index
      %swap3A_90 = vector.load %arg13[%swap3A_87, %swap3A_88, %swap3A_89] : memref<1x256x64xf32, #tpu.memory_space<vmem>>, vector<1x256x64xf32>
      %swap3A_91 = vector.shape_cast %swap3A_90 : vector<1x256x64xf32> to vector<256x64xf32>
      %swap3A_92 = vector.shape_cast %mul3A_86 : vector<256x64xf32> to vector<1x256x64xf32>
      tpu.vector_store %arg13[%swap3A_87, %swap3A_88, %swap3A_89], %swap3A_92 {strides = array<i32>} : memref<1x256x64xf32, #tpu.memory_space<vmem>>, vector<1x256x64xf32>,
      %mul3A_93 = vector.broadcast %broadcast_in_dim3A : vector<256x1xf32> to vector<256x256xf32>
      %mul3A_94 = arith.mulf %dot_general3A_73, %mul3A_93 : vector<256x256xf32>
      %get3A_95 = arith.constant 0 : index
      %get3A_96 = arith.constant 0 : index
      %get3A_97 = arith.constant 0 : index
      %get3A_98 = vector.load %arg7[%get3A_95, %get3A_96, %get3A_97] : memref<1x1x256xf32, #tpu.memory_space<vmem>>, vector<1x1x256xf32>
      %get3A_99 = vector.shape_cast %get3A_98 : vector<1x1x256xf32> to vector<256xf32>
      %broadcast_in_dim3A_100 = vector.shape_cast %get3A_99 : vector<256xf32> to vector<1x256xf32>
      %add3A_101 = vector.broadcast %broadcast_in_dim3A_100 : vector<1x256xf32> to vector<256x256xf32>
      %add3A_102 = arith.addf %mul3A_94, %add3A_101 : vector<256x256xf32>
      %swap3A_103 = arith.constant 0 : index
      %swap3A_104 = arith.constant 0 : index
      %swap3A_105 = arith.constant 0 : index
      %swap3A_106 = vector.load %arg14[%swap3A_103, %swap3A_104, %swap3A_105] : memref<1x256x256xf32, #tpu.memory_space<vmem>>, vector<1x256x256xf32>
      %swap3A_107 = vector.shape_cast %swap3A_106 : vector<1x256x256xf32> to vector<256x256xf32>
      %swap3A_108 = vector.shape_cast %add3A_102 : vector<256x256xf32> to vector<1x256x256xf32>
      tpu.vector_store %arg14[%swap3A_103, %swap3A_104, %swap3A_105], %swap3A_108 {strides = array<i32>} : memref<1x256x256xf32, #tpu.memory_space<vmem>>, vector<1x256x256xf32>,
      %swap3A_109 = arith.constant 0 : index
      %swap3A_110 = arith.constant 0 : index
      %swap3A_111 = vector.load %arg20[%swap3A_109, %swap3A_110] : memref<256x256xf32, #tpu.memory_space<vmem>>, vector<256x256xf32>
      tpu.vector_store %arg20[%swap3A_109, %swap3A_110], %dot_general3A_73 {strides = array<i32>} : memref<256x256xf32, #tpu.memory_space<vmem>>, vector<256x256xf32>,
    } else {
    }
    %gt3A = arith.constant 0 : i32
    %gt3A_2 = arith.cmpi sgt, %arg1, %gt3A : i32
    %le3A = arith.constant 8 : i32
    %le3A_3 = arith.cmpi sle, %arg1, %le3A : i32
    %and3A = arith.andi %gt3A_2, %le3A_3 : i1
    %convert_element_type3A_4 = arith.extui %and3A : i1 to i32
    %cond3A_5 = arith.constant 0 : i32
    %cond3A_6 = arith.cmpi ne, %convert_element_type3A_4, %cond3A_5 : i32
    scf.if %cond3A_6 {
      %sub3A = arith.constant 1 : i32
      %sub3A_12 = arith.subi %arg1, %sub3A : i32
      %mul3A = arith.constant 32 : i32
      %mul3A_13 = arith.muli %sub3A_12, %mul3A : i32
      %get3A = arith.constant 0 : index
      %get3A_14 = arith.index_cast %mul3A_13 : i32 to index
      %get3A_15 = arith.constant 0 : index
      %get3A_16 = vector.load %arg12[%get3A, %get3A_14, %get3A_15] : memref<1x256x64xf32, #tpu.memory_space<vmem>>, vector<1x32x64xf32>
      %get3A_17 = vector.shape_cast %get3A_16 : vector<1x32x64xf32> to vector<32x64xf32>
      %get3A_18 = arith.constant 0 : index
      %get3A_19 = arith.index_cast %mul3A_13 : i32 to index
      %get3A_20 = arith.constant 0 : index
      %get3A_21 = vector.load %arg14[%get3A_18, %get3A_19, %get3A_20] : memref<1x256x256xf32, #tpu.memory_space<vmem>>, vector<1x32x256xf32>
      %get3A_22 = vector.shape_cast %get3A_21 : vector<1x32x256xf32> to vector<32x256xf32>
      %get3A_23 = arith.constant 0 : index
      %get3A_24 = arith.constant 0 : index
      %get3A_25 = arith.constant 0 : index
      %get3A_26 = vector.load %arg13[%get3A_23, %get3A_24, %get3A_25] : memref<1x256x64xf32, #tpu.memory_space<vmem>>, vector<1x256x64xf32>
      %get3A_27 = vector.shape_cast %get3A_26 : vector<1x256x64xf32> to vector<256x64xf32>
      %get3A_28 = arith.index_cast %mul3A_13 : i32 to index
      %get3A_29 = arith.constant 0 : index
      %get3A_30 = vector.load %arg19[%get3A_28, %get3A_29] : memref<256x256xf32, #tpu.memory_space<vmem>>, vector<32x256xf32>
      %broadcast_in_dim3A = vector.shape_cast %get3A_17 : vector<32x64xf32> to vector<32x1x64xf32>
      %broadcast_in_dim3A_31 = vector.shape_cast %get3A_27 : vector<256x64xf32> to vector<1x256x64xf32>
      %add3A = vector.broadcast %broadcast_in_dim3A : vector<32x1x64xf32> to vector<32x256x64xf32>
      %add3A_32 = vector.broadcast %broadcast_in_dim3A_31 : vector<1x256x64xf32> to vector<32x256x64xf32>
      %add3A_33 = arith.addf %add3A, %add3A_32 : vector<32x256x64xf32>
      %max3A = arith.constant 0.000000e+00 : f32
      %max3A_34 = vector.broadcast %max3A : f32 to vector<32x256x64xf32>
      %max3A_35 = arith.maximumf %add3A_33, %max3A_34 : vector<32x256x64xf32>
      %broadcast_in_dim3A_36 = vector.shape_cast %get3A_30 : vector<32x256xf32> to vector<32x256x1xf32>
      %mul3A_37 = vector.broadcast %broadcast_in_dim3A_36 : vector<32x256x1xf32> to vector<32x256x64xf32>
      %mul3A_38 = arith.mulf %max3A_35, %mul3A_37 : vector<32x256x64xf32>
      %reduce_sum3A = arith.constant dense<0.000000e+00> : vector<32x64xf32>
      %reduce_sum3A_39 = vector.multi_reduction <add>, %mul3A_38, %reduce_sum3A [1] : vector<32x256x64xf32> to vector<32x64xf32>
      %reshape3A = vector.shape_cast %max3A_35 : vector<32x256x64xf32> to vector<8192x64xf32>
      %get3A_40 = arith.constant 0 : index
      %get3A_41 = arith.constant 0 : index
      %get3A_42 = arith.constant 0 : index
      %get3A_43 = vector.load %arg6[%get3A_40, %get3A_41, %get3A_42] : memref<1x64x256xf32, #tpu.memory_space<vmem>>, vector<1x64x256xf32>
      %get3A_44 = vector.shape_cast %get3A_43 : vector<1x64x256xf32> to vector<64x256xf32>
      %dot_general3A = arith.constant dense<0.000000e+00> : vector<8192x256xf32>
      %dot_general3A_45 = tpu.matmul %reshape3A, %get3A_44, %dot_general3A {dimension_numbers = #tpu.dot_dimension_numbers<[1], [0], [0], [1], [0, 0, 1, 1], [], []>, transpose_lhs_hint = false} : vector<8192x64xf32>, vector<64x256xf32>, vector<8192x256xf32> -> vector<8192x256xf32>
      %broadcast_in_dim3A_46 = vector.shape_cast %get3A_22 : vector<32x256xf32> to vector<32x1x256xf32>
      %reshape3A_47 = vector.shape_cast %dot_general3A_45 : vector<8192x256xf32> to vector<32x256x256xf32>
      %mul3A_48 = arith.constant 0.49999997 : f32
      %mul3A_49 = vector.broadcast %mul3A_48 : f32 to vector<32x256x256xf32>
      %mul3A_50 = arith.mulf %mul3A_49, %reshape3A_47 : vector<32x256x256xf32>
      %add3A_51 = vector.broadcast %broadcast_in_dim3A_46 : vector<32x1x256xf32> to vector<32x256x256xf32>
      %add3A_52 = arith.addf %add3A_51, %mul3A_50 : vector<32x256x256xf32>
      %max3A_53 = arith.constant 0.000000e+00 : f32
      %max3A_54 = vector.broadcast %max3A_53 : f32 to vector<32x256x256xf32>
      %max3A_55 = arith.maximumf %add3A_52, %max3A_54 : vector<32x256x256xf32>
      %reshape3A_56 = vector.shape_cast %max3A_55 : vector<32x256x256xf32> to vector<8192x256xf32>
      %get3A_57 = arith.constant 0 : index
      %get3A_58 = arith.constant 0 : index
      %get3A_59 = arith.constant 0 : index
      %get3A_60 = vector.load %arg11[%get3A_57, %get3A_58, %get3A_59] : memref<1x256x128xf32, #tpu.memory_space<vmem>>, vector<1x256x128xf32>
      %get3A_61 = vector.shape_cast %get3A_60 : vector<1x256x128xf32> to vector<256x128xf32>
      %dot_general3A_62 = arith.constant dense<0.000000e+00> : vector<8192x128xf32>
      %dot_general3A_63 = tpu.matmul %reshape3A_56, %get3A_61, %dot_general3A_62 {dimension_numbers = #tpu.dot_dimension_numbers<[1], [0], [0], [1], [0, 0, 1, 1], [], []>, transpose_lhs_hint = false} : vector<8192x256xf32>, vector<256x128xf32>, vector<8192x128xf32> -> vector<8192x128xf32>
      %reshape3A_64 = vector.shape_cast %dot_general3A_63 : vector<8192x128xf32> to vector<32x256x128xf32>
      %slice3A = vector.extract_strided_slice %reshape3A_64 {offsets = [0, 0, 0], sizes = [32, 256, 1], strides = [1, 1, 1]} : vector<32x256x128xf32> to vector<32x256x1xf32>
      %squeeze3A = vector.shape_cast %slice3A : vector<32x256x1xf32> to vector<32x256xf32>
      %slice3A_65 = vector.extract_strided_slice %reshape3A_64 {offsets = [0, 0, 1], sizes = [32, 256, 1], strides = [1, 1, 1]} : vector<32x256x128xf32> to vector<32x256x1xf32>
      %squeeze3A_66 = vector.shape_cast %slice3A_65 : vector<32x256x1xf32> to vector<32x256xf32>
      %mul3A_67 = arith.mulf %get3A_30, %squeeze3A_66 : vector<32x256xf32>
      %reduce_sum3A_68 = arith.constant dense<0.000000e+00> : vector<32xf32>
      %reduce_sum3A_69 = vector.multi_reduction <add>, %mul3A_67, %reduce_sum3A_68 [1] : vector<32x256xf32> to vector<32xf32>
      %broadcast_in_dim3A_70 = vector.shape_cast %reduce_sum3A_69 : vector<32xf32> to vector<32x1xf32>
      %broadcast_in_dim3A_71 = vector.shape_cast %broadcast_in_dim3A_70 : vector<32x1xf32> to vector<32x1xf32>
      %broadcast_in_dim3A_72 = vector.broadcast %broadcast_in_dim3A_71 : vector<32x1xf32> to vector<32x8xf32>
      %swap3A = arith.index_cast %mul3A_13 : i32 to index
      %swap3A_73 = arith.constant 0 : index
      %swap3A_74 = vector.load %arg22[%swap3A, %swap3A_73] : memref<256x8xf32, #tpu.memory_space<vmem>>, vector<32x8xf32>
      tpu.vector_store %arg22[%swap3A, %swap3A_73], %broadcast_in_dim3A_72 {strides = array<i32>} : memref<256x8xf32, #tpu.memory_space<vmem>>, vector<32x8xf32>,
      %gt3A_75 = arith.constant 0.000000e+00 : f32
      %gt3A_76 = vector.broadcast %gt3A_75 : f32 to vector<32x256xf32>
      %gt3A_77 = arith.cmpf ogt, %get3A_30, %gt3A_76 : vector<32x256xf32>
      %jit3A = arith.constant 0xFF800000 : f32
      %broadcast_in_dim3A_78 = vector.broadcast %jit3A : f32 to vector<32x256xf32>
      %select_n3A = arith.select %gt3A_77, %squeeze3A, %broadcast_in_dim3A_78 : vector<32x256xi1>, vector<32x256xf32>
      %swap3A_79 = arith.index_cast %mul3A_13 : i32 to index
      %swap3A_80 = arith.constant 0 : index
      %swap3A_81 = vector.load %arg21[%swap3A_79, %swap3A_80] : memref<256x256xf32, #tpu.memory_space<vmem>>, vector<32x256xf32>
      tpu.vector_store %arg21[%swap3A_79, %swap3A_80], %select_n3A {strides = array<i32>} : memref<256x256xf32, #tpu.memory_space<vmem>>, vector<32x256xf32>,
      %get3A_82 = arith.constant 0 : index
      %get3A_83 = arith.constant 0 : index
      %get3A_84 = arith.constant 0 : index
      %get3A_85 = vector.load %arg6[%get3A_82, %get3A_83, %get3A_84] : memref<1x64x256xf32, #tpu.memory_space<vmem>>, vector<1x64x256xf32>
      %get3A_86 = vector.shape_cast %get3A_85 : vector<1x64x256xf32> to vector<64x256xf32>
      %dot_general3A_87 = arith.constant dense<0.000000e+00> : vector<32x256xf32>
      %dot_general3A_88 = tpu.matmul %reduce_sum3A_39, %get3A_86, %dot_general3A_87 {dimension_numbers = #tpu.dot_dimension_numbers<[1], [0], [0], [1], [0, 0, 1, 1], [], []>, transpose_lhs_hint = false} : vector<32x64xf32>, vector<64x256xf32>, vector<32x256xf32> -> vector<32x256xf32>
      %swap3A_89 = arith.index_cast %mul3A_13 : i32 to index
      %swap3A_90 = arith.constant 0 : index
      %swap3A_91 = vector.load %arg23[%swap3A_89, %swap3A_90] : memref<256x256xf32, #tpu.memory_space<vmem>>, vector<32x256xf32>
      tpu.vector_store %arg23[%swap3A_89, %swap3A_90], %dot_general3A_88 {strides = array<i32>} : memref<256x256xf32, #tpu.memory_space<vmem>>, vector<32x256xf32>,
    } else {
    }
    %eq3A_7 = arith.constant 9 : i32
    %eq3A_8 = arith.cmpi eq, %arg1, %eq3A_7 : i32
    %convert_element_type3A_9 = arith.extui %eq3A_8 : i1 to i32
    %cond3A_10 = arith.constant 0 : i32
    %cond3A_11 = arith.cmpi ne, %convert_element_type3A_9, %cond3A_10 : i32
    scf.if %cond3A_11 {
      %get3A = arith.constant 0 : index
      %get3A_12 = arith.constant 0 : index
      %get3A_13 = vector.load %arg19[%get3A, %get3A_12] : memref<256x256xf32, #tpu.memory_space<vmem>>, vector<256x256xf32>
      %reduce_sum3A = arith.constant dense<0.000000e+00> : vector<256xf32>
      %reduce_sum3A_14 = vector.multi_reduction <add>, %get3A_13, %reduce_sum3A [1] : vector<256x256xf32> to vector<256xf32>
      %add3A = arith.constant 1.000000e+00 : f32
      %add3A_15 = vector.broadcast %add3A : f32 to vector<256xf32>
      %add3A_16 = arith.addf %reduce_sum3A_14, %add3A_15 : vector<256xf32>
      %sqrt3A = math.sqrt %add3A_16 : vector<256xf32>
      %div3A = arith.constant 1.000000e+00 : f32
      %div3A_17 = vector.broadcast %div3A : f32 to vector<256xf32>
      %div3A_18 = arith.divf %div3A_17, %sqrt3A : vector<256xf32>
      %mul3A = arith.constant 0.707106769 : f32
      %mul3A_19 = vector.broadcast %mul3A : f32 to vector<256xf32>
      %mul3A_20 = arith.mulf %div3A_18, %mul3A_19 : vector<256xf32>
      %broadcast_in_dim3A = vector.shape_cast %mul3A_20 : vector<256xf32> to vector<256x1xf32>
      %mul3A_21 = arith.mulf %div3A_18, %div3A_18 : vector<256xf32>
      %broadcast_in_dim3A_22 = vector.shape_cast %mul3A_21 : vector<256xf32> to vector<256x1xf32>
      %get3A_23 = arith.constant 0 : index
      %get3A_24 = arith.constant 0 : index
      %get3A_25 = vector.load %arg20[%get3A_23, %get3A_24] : memref<256x256xf32, #tpu.memory_space<vmem>>, vector<256x256xf32>
      %get3A_26 = arith.constant 0 : index
      %get3A_27 = arith.constant 0 : index
      %get3A_28 = vector.load %arg23[%get3A_26, %get3A_27] : memref<256x256xf32, #tpu.memory_space<vmem>>, vector<256x256xf32>
      %mul3A_29 = vector.broadcast %broadcast_in_dim3A : vector<256x1xf32> to vector<256x256xf32>
      %mul3A_30 = arith.mulf %get3A_28, %mul3A_29 : vector<256x256xf32>
      %mul3A_31 = vector.broadcast %broadcast_in_dim3A_22 : vector<256x1xf32> to vector<256x256xf32>
      %mul3A_32 = arith.mulf %get3A_25, %mul3A_31 : vector<256x256xf32>
      %add3A_33 = arith.addf %mul3A_30, %mul3A_32 : vector<256x256xf32>
      %get3A_34 = arith.constant 0 : index
      %get3A_35 = arith.constant 0 : index
      %get3A_36 = arith.constant 0 : index
      %get3A_37 = vector.load %arg7[%get3A_34, %get3A_35, %get3A_36] : memref<1x1x256xf32, #tpu.memory_space<vmem>>, vector<1x1x256xf32>
      %get3A_38 = vector.shape_cast %get3A_37 : vector<1x1x256xf32> to vector<256xf32>
      %broadcast_in_dim3A_39 = vector.shape_cast %get3A_38 : vector<256xf32> to vector<1x256xf32>
      %add3A_40 = vector.broadcast %broadcast_in_dim3A_39 : vector<1x256xf32> to vector<256x256xf32>
      %add3A_41 = arith.addf %add3A_33, %add3A_40 : vector<256x256xf32>
      %max3A = arith.constant 0.000000e+00 : f32
      %max3A_42 = vector.broadcast %max3A : f32 to vector<256x256xf32>
      %max3A_43 = arith.maximumf %add3A_41, %max3A_42 : vector<256x256xf32>
      %swap3A = arith.constant 0 : index
      %swap3A_44 = arith.constant 0 : index
      %swap3A_45 = arith.constant 0 : index
      %swap3A_46 = vector.load %arg15[%swap3A, %swap3A_44, %swap3A_45] : memref<1x256x256xf32, #tpu.memory_space<vmem>>, vector<1x256x256xf32>
      %swap3A_47 = vector.shape_cast %swap3A_46 : vector<1x256x256xf32> to vector<256x256xf32>
      %swap3A_48 = vector.shape_cast %max3A_43 : vector<256x256xf32> to vector<1x256x256xf32>
      tpu.vector_store %arg15[%swap3A, %swap3A_44, %swap3A_45], %swap3A_48 {strides = array<i32>} : memref<1x256x256xf32, #tpu.memory_space<vmem>>, vector<1x256x256xf32>,
      %get3A_49 = arith.constant 0 : index
      %get3A_50 = arith.constant 0 : index
      %get3A_51 = arith.constant 0 : index
      %get3A_52 = vector.load %arg8[%get3A_49, %get3A_50, %get3A_51] : memref<1x1x256xf32, #tpu.memory_space<vmem>>, vector<1x1x256xf32>
      %get3A_53 = vector.shape_cast %get3A_52 : vector<1x1x256xf32> to vector<256xf32>
      %broadcast_in_dim3A_54 = vector.shape_cast %get3A_53 : vector<256xf32> to vector<1x256xf32>
      %get3A_55 = arith.constant 0 : index
      %get3A_56 = arith.constant 0 : index
      %get3A_57 = arith.constant 0 : index
      %get3A_58 = vector.load %arg9[%get3A_55, %get3A_56, %get3A_57] : memref<1x1x256xf32, #tpu.memory_space<vmem>>, vector<1x1x256xf32>
      %get3A_59 = vector.shape_cast %get3A_58 : vector<1x1x256xf32> to vector<256xf32>
      %broadcast_in_dim3A_60 = vector.shape_cast %get3A_59 : vector<256xf32> to vector<1x256xf32>
      %get3A_61 = arith.constant 0 : index
      %get3A_62 = arith.constant 0 : index
      %get3A_63 = arith.constant 0 : index
      %get3A_64 = vector.load %arg10[%get3A_61, %get3A_62, %get3A_63] : memref<1x1x256xf32, #tpu.memory_space<vmem>>, vector<1x1x256xf32>
      %get3A_65 = vector.shape_cast %get3A_64 : vector<1x1x256xf32> to vector<256xf32>
      %mul3A_66 = vector.broadcast %broadcast_in_dim3A_54 : vector<1x256xf32> to vector<256x256xf32>
      %mul3A_67 = arith.mulf %max3A_43, %mul3A_66 : vector<256x256xf32>
      %reduce_sum3A_68 = arith.constant dense<0.000000e+00> : vector<256xf32>
      %reduce_sum3A_69 = vector.multi_reduction <add>, %mul3A_67, %reduce_sum3A_68 [1] : vector<256x256xf32> to vector<256xf32>
      %add3A_70 = arith.addf %reduce_sum3A_69, %get3A_65 : vector<256xf32>
      %get3A_71 = arith.constant 0 : index
      %get3A_72 = arith.constant 0 : index
      %get3A_73 = vector.load %arg22[%get3A_71, %get3A_72] : memref<256x8xf32, #tpu.memory_space<vmem>>, vector<256x1xf32>
      %get3A_74 = vector.shape_cast %get3A_73 : vector<256x1xf32> to vector<256xf32>
      %mul3A_75 = vector.broadcast %broadcast_in_dim3A_60 : vector<1x256xf32> to vector<256x256xf32>
      %mul3A_76 = arith.mulf %max3A_43, %mul3A_75 : vector<256x256xf32>
      %reduce_sum3A_77 = arith.constant dense<0.000000e+00> : vector<256xf32>
      %reduce_sum3A_78 = vector.multi_reduction <add>, %mul3A_76, %reduce_sum3A_77 [1] : vector<256x256xf32> to vector<256xf32>
      %add3A_79 = arith.addf %get3A_74, %reduce_sum3A_78 : vector<256xf32>
      %add3A_80 = arith.addf %add3A_79, %get3A_65 : vector<256xf32>
      %get3A_81 = arith.constant 0 : index
      %get3A_82 = arith.constant 0 : index
      %get3A_83 = vector.load %arg21[%get3A_81, %get3A_82] : memref<256x256xf32, #tpu.memory_space<vmem>>, vector<256x256xf32>
      %broadcast_in_dim3A_84 = vector.shape_cast %add3A_70 : vector<256xf32> to vector<256x1xf32>
      %add3A_85 = vector.broadcast %broadcast_in_dim3A_84 : vector<256x1xf32> to vector<256x256xf32>
      %add3A_86 = arith.addf %get3A_83, %add3A_85 : vector<256x256xf32>
      %swap3A_87 = arith.constant 0 : index
      %swap3A_88 = arith.constant 0 : index
      %swap3A_89 = vector.load %arg21[%swap3A_87, %swap3A_88] : memref<256x256xf32, #tpu.memory_space<vmem>>, vector<256x256xf32>
      tpu.vector_store %arg21[%swap3A_87, %swap3A_88], %add3A_86 {strides = array<i32>} : memref<256x256xf32, #tpu.memory_space<vmem>>, vector<256x256xf32>,
      %broadcast_in_dim3A_90 = arith.constant 0.000000e+00 : f32
      %broadcast_in_dim3A_91 = vector.broadcast %broadcast_in_dim3A_90 : f32 to vector<56x256xf32>
      %swap3A_92 = arith.constant 0 : index
      %swap3A_93 = arith.constant 0 : index
      %swap3A_94 = arith.constant 0 : index
      %swap3A_95 = vector.load %arg16[%swap3A_92, %swap3A_93, %swap3A_94] : memref<1x56x256xf32, #tpu.memory_space<vmem>>, vector<1x56x256xf32>
      %swap3A_96 = vector.shape_cast %swap3A_95 : vector<1x56x256xf32> to vector<56x256xf32>
      %swap3A_97 = vector.shape_cast %broadcast_in_dim3A_91 : vector<56x256xf32> to vector<1x56x256xf32>
      tpu.vector_store %arg16[%swap3A_92, %swap3A_93, %swap3A_94], %swap3A_97 {strides = array<i32>} : memref<1x56x256xf32, #tpu.memory_space<vmem>>, vector<1x56x256xf32>,
      %broadcast_in_dim3A_98 = arith.constant 0 : i32
      %broadcast_in_dim3A_99 = vector.broadcast %broadcast_in_dim3A_98 : i32 to vector<56x256xi32>
      %swap3A_100 = arith.constant 0 : index
      %swap3A_101 = arith.constant 0 : index
      %swap3A_102 = arith.constant 0 : index
      %swap3A_103 = vector.load %arg17[%swap3A_100, %swap3A_101, %swap3A_102] : memref<1x56x256xi32, #tpu.memory_space<vmem>>, vector<1x56x256xi32>
      %swap3A_104 = vector.shape_cast %swap3A_103 : vector<1x56x256xi32> to vector<56x256xi32>
      %swap3A_105 = vector.shape_cast %broadcast_in_dim3A_99 : vector<56x256xi32> to vector<1x56x256xi32>
      tpu.vector_store %arg17[%swap3A_100, %swap3A_101, %swap3A_102], %swap3A_105 {strides = array<i32>} : memref<1x56x256xi32, #tpu.memory_space<vmem>>, vector<1x56x256xi32>,
      %iota3A = tpu.iota {dimensions = array<i32: 1>} : vector<256x256xi32>
      %scan3A = arith.constant 1073741824 : i32
      %scan3A_106 = arith.constant 0 : i32
      %scan3A_107 = arith.constant 52 : i32
      %scan3A_108 = arith.addi %scan3A_106, %scan3A_107 : i32
      %scan3A_109 = arith.constant 1 : i32
      %scan3A_110 = scf.for %scan3A_112 = %scan3A_106 to %scan3A_108 step %scan3A_109 iter_args(%scan3A_113 = %add3A_80) -> (vector<256xf32>)  : i32 {
        %get3A_114 = arith.constant 0 : index
        %get3A_115 = arith.constant 0 : index
        %get3A_116 = vector.load %arg21[%get3A_114, %get3A_115] : memref<256x256xf32, #tpu.memory_space<vmem>>, vector<256x256xf32>
        %reduce_max3A = arith.constant dense<0xFF800000> : vector<256xf32>
        %reduce_max3A_117 = vector.multi_reduction <maximumf>, %get3A_116, %reduce_max3A [1] : vector<256x256xf32> to vector<256xf32>
        %ge3A = arith.cmpf oge, %scan3A_113, %reduce_max3A_117 : vector<256xf32>
        %select_n3A = arith.select %ge3A, %scan3A_113, %reduce_max3A_117 : vector<256xi1>, vector<256xf32>
        %broadcast_in_dim3A_118 = vector.shape_cast %reduce_max3A_117 : vector<256xf32> to vector<256x1xf32>
        %eq3A_119 = vector.broadcast %broadcast_in_dim3A_118 : vector<256x1xf32> to vector<256x256xf32>
        %eq3A_120 = arith.cmpf oeq, %get3A_116, %eq3A_119 : vector<256x256xf32>
        %broadcast_in_dim3A_121 = vector.broadcast %scan3A : i32 to vector<256x256xi32>
        %select_n3A_122 = arith.select %eq3A_120, %iota3A, %broadcast_in_dim3A_121 : vector<256x256xi1>, vector<256x256xi32>
        %reduce_min3A = arith.constant dense<2147483647> : vector<256xi32>
        %reduce_min3A_123 = vector.multi_reduction <minsi>, %select_n3A_122, %reduce_min3A [1] : vector<256x256xi32> to vector<256xi32>
        %add3A_124 = arith.constant 1 : i32
        %add3A_125 = vector.broadcast %add3A_124 : i32 to vector<256xi32>
        %add3A_126 = arith.addi %reduce_min3A_123, %add3A_125 : vector<256xi32>
        %jit3A = arith.constant 0 : i32
        %broadcast_in_dim3A_127 = vector.broadcast %jit3A : i32 to vector<256xi32>
        %select_n3A_128 = arith.select %ge3A, %broadcast_in_dim3A_127, %add3A_126 : vector<256xi1>, vector<256xi32>
        %not3A = arith.constant dense<true> : vector<256xi1>
        %not3A_129 = arith.xori %ge3A, %not3A : vector<256xi1>
        %broadcast_in_dim3A_130 = vector.shape_cast %not3A_129 : vector<256xi1> to vector<256x1xi1>
        %and3A_131 = vector.broadcast %broadcast_in_dim3A_130 : vector<256x1xi1> to vector<256x256xi1>
        %and3A_132 = arith.andi %and3A_131, %eq3A_120 : vector<256x256xi1>
        %broadcast_in_dim3A_133 = vector.shape_cast %reduce_min3A_123 : vector<256xi32> to vector<256x1xi32>
        %eq3A_134 = vector.broadcast %broadcast_in_dim3A_133 : vector<256x1xi32> to vector<256x256xi32>
        %eq3A_135 = arith.cmpi eq, %iota3A, %eq3A_134 : vector<256x256xi32>
        %and3A_136 = arith.andi %and3A_132, %eq3A_135 : vector<256x256xi1>
        %jit3A_137 = arith.constant 0xFF800000 : f32
        %broadcast_in_dim3A_138 = vector.broadcast %jit3A_137 : f32 to vector<256x256xf32>
        %select_n3A_139 = arith.select %and3A_136, %broadcast_in_dim3A_138, %get3A_116 : vector<256x256xi1>, vector<256x256xf32>
        %swap3A_140 = arith.constant 0 : index
        %swap3A_141 = arith.constant 0 : index
        %swap3A_142 = vector.load %arg21[%swap3A_140, %swap3A_141] : memref<256x256xf32, #tpu.memory_space<vmem>>, vector<256x256xf32>
        tpu.vector_store %arg21[%swap3A_140, %swap3A_141], %select_n3A_139 {strides = array<i32>} : memref<256x256xf32, #tpu.memory_space<vmem>>, vector<256x256xf32>,
        %broadcast_in_dim3A_143 = vector.shape_cast %select_n3A : vector<256xf32> to vector<1x256xf32>
        %swap3A_144 = arith.constant 0 : index
        %swap3A_145 = arith.index_cast %scan3A_112 : i32 to index
        %swap3A_146 = arith.constant 0 : index
        %swap3A_147 = vector.load %arg16[%swap3A_144, %swap3A_145, %swap3A_146] : memref<1x56x256xf32, #tpu.memory_space<vmem>>, vector<1x1x256xf32>
        %swap3A_148 = vector.shape_cast %swap3A_147 : vector<1x1x256xf32> to vector<1x256xf32>
        %swap3A_149 = vector.shape_cast %broadcast_in_dim3A_143 : vector<1x256xf32> to vector<1x1x256xf32>
        tpu.vector_store %arg16[%swap3A_144, %swap3A_145, %swap3A_146], %swap3A_149 {strides = array<i32>} : memref<1x56x256xf32, #tpu.memory_space<vmem>>, vector<1x1x256xf32>,
        %broadcast_in_dim3A_150 = vector.shape_cast %select_n3A_128 : vector<256xi32> to vector<1x256xi32>
        %swap3A_151 = arith.constant 0 : index
        %swap3A_152 = arith.index_cast %scan3A_112 : i32 to index
        %swap3A_153 = arith.constant 0 : index
        %swap3A_154 = vector.load %arg17[%swap3A_151, %swap3A_152, %swap3A_153] : memref<1x56x256xi32, #tpu.memory_space<vmem>>, vector<1x1x256xi32>
        %swap3A_155 = vector.shape_cast %swap3A_154 : vector<1x1x256xi32> to vector<1x256xi32>
        %swap3A_156 = vector.shape_cast %broadcast_in_dim3A_150 : vector<1x256xi32> to vector<1x1x256xi32>
        tpu.vector_store %arg17[%swap3A_151, %swap3A_152, %swap3A_153], %swap3A_156 {strides = array<i32>} : memref<1x56x256xi32, #tpu.memory_space<vmem>>, vector<1x1x256xi32>,
        %jit3A_157 = arith.constant 0xFF800000 : f32
        %broadcast_in_dim3A_158 = vector.broadcast %jit3A_157 : f32 to vector<256xf32>
        %select_n3A_159 = arith.select %ge3A, %broadcast_in_dim3A_158, %scan3A_113 : vector<256xi1>, vector<256xf32>
        scf.yield %select_n3A_159 : vector<256xf32>
      }
      %scan3A_111 = arith.constant 52 : i32
    } else {
    }
    return
  }
  func.func @transform_0(%arg0: i32, %arg1: i32) -> (i32, i32) {
    %c0_i32 = arith.constant 0 : i32
    %c0_i32_0 = arith.constant 0 : i32
    %c0_i32_1 = arith.constant 0 : i32
    return %c0_i32, %c0_i32_0 : i32, i32
  }
  func.func @transform_1(%arg0: i32, %arg1: i32) -> (i32, i32, i32) {
    %c0_i32 = arith.constant 0 : i32
    %c0_i32_0 = arith.constant 0 : i32
    %c0_i32_1 = arith.constant 0 : i32
    return %arg0, %c0_i32, %c0_i32_0 : i32, i32, i32
  }
  func.func @transform_2(%arg0: i32, %arg1: i32) -> (i32, i32, i32) {
    %c0_i32 = arith.constant 0 : i32
    %c0_i32_0 = arith.constant 0 : i32
    %c0_i32_1 = arith.constant 0 : i32
    return %arg0, %c0_i32, %c0_i32_0 : i32, i32, i32
  }
  func.func @transform_3(%arg0: i32, %arg1: i32) -> (i32, i32, i32) {
    %c0_i32 = arith.constant 0 : i32
    %c0_i32_0 = arith.constant 0 : i32
    %c0_i32_1 = arith.constant 0 : i32
    return %arg0, %c0_i32, %c0_i32_0 : i32, i32, i32
  }
  func.func @transform_4(%arg0: i32, %arg1: i32) -> (i32, i32, i32) {
    %c0_i32 = arith.constant 0 : i32
    %c0_i32_0 = arith.constant 0 : i32
    %c0_i32_1 = arith.constant 0 : i32
    return %arg0, %c0_i32, %c0_i32_0 : i32, i32, i32
  }
  func.func @transform_5(%arg0: i32, %arg1: i32) -> (i32, i32, i32) {
    %c0_i32 = arith.constant 0 : i32
    %c0_i32_0 = arith.constant 0 : i32
    %c0_i32_1 = arith.constant 0 : i32
    return %arg0, %c0_i32, %c0_i32_0 : i32, i32, i32
  }
  func.func @transform_6(%arg0: i32, %arg1: i32) -> (i32, i32, i32) {
    %c0_i32 = arith.constant 0 : i32
    %c0_i32_0 = arith.constant 0 : i32
    %c0_i32_1 = arith.constant 0 : i32
    return %arg0, %c0_i32, %c0_i32_0 : i32, i32, i32
  }
  func.func @transform_7(%arg0: i32, %arg1: i32) -> (i32, i32, i32) {
    %c0_i32 = arith.constant 0 : i32
    %c0_i32_0 = arith.constant 0 : i32
    %c0_i32_1 = arith.constant 0 : i32
    return %arg0, %c0_i32, %c0_i32_0 : i32, i32, i32
  }
  func.func @transform_8(%arg0: i32, %arg1: i32) -> (i32, i32, i32) {
    %c0_i32 = arith.constant 0 : i32
    %c0_i32_0 = arith.constant 0 : i32
    %c0_i32_1 = arith.constant 0 : i32
    return %arg0, %c0_i32, %c0_i32_0 : i32, i32, i32
  }
  func.func @transform_9(%arg0: i32, %arg1: i32) -> (i32, i32, i32) {
    %c0_i32 = arith.constant 0 : i32
    %c0_i32_0 = arith.constant 0 : i32
    %c0_i32_1 = arith.constant 0 : i32
    return %arg0, %c0_i32, %c0_i32_0 : i32, i32, i32
  }
  func.func @transform_10(%arg0: i32, %arg1: i32) -> (i32, i32, i32) {
    %c0_i32 = arith.constant 0 : i32
    %c0_i32_0 = arith.constant 0 : i32
    %c0_i32_1 = arith.constant 0 : i32
    return %arg0, %c0_i32, %c0_i32_0 : i32, i32, i32
  }
  func.func @transform_11(%arg0: i32, %arg1: i32) -> (i32, i32, i32) {
    %c0_i32 = arith.constant 0 : i32
    %c0_i32_0 = arith.constant 0 : i32
    %c0_i32_1 = arith.constant 0 : i32
    return %arg0, %c0_i32, %c0_i32_0 : i32, i32, i32
  }
  func.func @transform_12(%arg0: i32, %arg1: i32) -> (i32, i32, i32) {
    %c0_i32 = arith.constant 0 : i32
    %c0_i32_0 = arith.constant 0 : i32
    %c0_i32_1 = arith.constant 0 : i32
    return %arg0, %c0_i32, %c0_i32_0 : i32, i32, i32
  }
  func.func @transform_13(%arg0: i32, %arg1: i32) -> (i32, i32, i32) {
    %c0_i32 = arith.constant 0 : i32
    %c0_i32_0 = arith.constant 0 : i32
    %c0_i32_1 = arith.constant 0 : i32
    return %arg0, %c0_i32, %c0_i32_0 : i32, i32, i32
  }
  func.func @transform_14(%arg0: i32, %arg1: i32) -> (i32, i32, i32) {
    %c0_i32 = arith.constant 0 : i32
    %c0_i32_0 = arith.constant 0 : i32
    %c0_i32_1 = arith.constant 0 : i32
    return %arg0, %c0_i32, %c0_i32_0 : i32, i32, i32
  }
  func.func @transform_15(%arg0: i32, %arg1: i32) -> (i32, i32, i32) {
    %c0_i32 = arith.constant 0 : i32
    %c0_i32_0 = arith.constant 0 : i32
    %c0_i32_1 = arith.constant 0 : i32
    return %arg0, %c0_i32, %c0_i32_0 : i32, i32, i32
  }
  func.func @transform_16(%arg0: i32, %arg1: i32) -> (i32, i32) {
    %c0_i32 = arith.constant 0 : i32
    %c0_i32_0 = arith.constant 0 : i32
    %c0_i32_1 = arith.constant 0 : i32
    return %c0_i32, %c0_i32_0 : i32, i32
  }
}

module attributes {stable_mosaic.version = 14 : i64} {
  func.func @_pool_kernel(%arg0: i32, %arg1: i32, %arg2: memref<1x32x56x128xf32, #tpu.memory_space<vmem>>, %arg3: memref<1x32x64xf32, #tpu.memory_space<vmem>>, %arg4: memref<1x32x256xf32, #tpu.memory_space<vmem>>, %arg5: memref<1x32x256xf32, #tpu.memory_space<vmem>>, %arg6: memref<1x32x56xf32, #tpu.memory_space<vmem>>, %arg7: memref<1x32x56xi32, #tpu.memory_space<vmem>>, %arg8: memref<32x56xf32, #tpu.memory_space<vmem>>, %arg9: memref<1x64x256xf32, #tpu.memory_space<vmem>>, %arg10: memref<1x512x256xf32, #tpu.memory_space<vmem>>, %arg11: memref<1x1x256xf32, #tpu.memory_space<vmem>>, %arg12: memref<1x256x128xf32, #tpu.memory_space<vmem>>, %arg13: memref<1x1x128xf32, #tpu.memory_space<vmem>>, %arg14: memref<1x32x128xf32, #tpu.memory_space<vmem>>) attributes {dimension_semantics = [#tpu.dimension_semantics<arbitrary>, #tpu.dimension_semantics<arbitrary>], iteration_bounds = array<i64: 2, 8>, scalar_prefetch = 0 : i64, scratch_operands = 0 : i64, tpu.core_type = #tpu.core_type<tc>, window_params = [{transform_indices = @transform_0, window_bounds = array<i64: 1, 32, 56, 128>}, {transform_indices = @transform_1, window_bounds = array<i64: 1, 32, 64>}, {transform_indices = @transform_2, window_bounds = array<i64: 1, 32, 256>}, {transform_indices = @transform_3, window_bounds = array<i64: 1, 32, 256>}, {transform_indices = @transform_4, window_bounds = array<i64: 1, 32, 56>}, {transform_indices = @transform_5, window_bounds = array<i64: 1, 32, 56>}, {transform_indices = @transform_6, window_bounds = array<i64: 32, 56>}, {transform_indices = @transform_7, window_bounds = array<i64: 1, 64, 256>}, {transform_indices = @transform_8, window_bounds = array<i64: 1, 512, 256>}, {transform_indices = @transform_9, window_bounds = array<i64: 1, 1, 256>}, {transform_indices = @transform_10, window_bounds = array<i64: 1, 256, 128>}, {transform_indices = @transform_11, window_bounds = array<i64: 1, 1, 128>}, {transform_indices = @transform_12, window_bounds = array<i64: 1, 32, 128>}]} {
    %get3A = arith.constant 0 : index
    %get3A_0 = arith.constant 0 : index
    %get3A_1 = arith.constant 0 : index
    %get3A_2 = vector.load %arg3[%get3A, %get3A_0, %get3A_1] : memref<1x32x64xf32, #tpu.memory_space<vmem>>, vector<1x32x64xf32>
    %get3A_3 = vector.shape_cast %get3A_2 : vector<1x32x64xf32> to vector<32x64xf32>
    %get3A_4 = arith.constant 0 : index
    %get3A_5 = arith.constant 0 : index
    %get3A_6 = arith.constant 0 : index
    %get3A_7 = arith.constant 0 : index
    %get3A_8 = vector.load %arg2[%get3A_4, %get3A_5, %get3A_6, %get3A_7] : memref<1x32x56x128xf32, #tpu.memory_space<vmem>>, vector<1x32x56x128xf32>
    %get3A_9 = vector.shape_cast %get3A_8 : vector<1x32x56x128xf32> to vector<32x56x128xf32>
    %slice3A = vector.extract_strided_slice %get3A_9 {offsets = [0, 0, 0], sizes = [32, 56, 64], strides = [1, 1, 1]} : vector<32x56x128xf32> to vector<32x56x64xf32>
    %broadcast_in_dim3A = vector.shape_cast %get3A_3 : vector<32x64xf32> to vector<32x1x64xf32>
    %add3A = vector.broadcast %broadcast_in_dim3A : vector<32x1x64xf32> to vector<32x56x64xf32>
    %add3A_10 = arith.addf %add3A, %slice3A : vector<32x56x64xf32>
    %max3A = arith.constant 0.000000e+00 : f32
    %max3A_11 = vector.broadcast %max3A : f32 to vector<32x56x64xf32>
    %max3A_12 = arith.maximumf %add3A_10, %max3A_11 : vector<32x56x64xf32>
    %reshape3A = vector.shape_cast %max3A_12 : vector<32x56x64xf32> to vector<1792x64xf32>
    %get3A_13 = arith.constant 0 : index
    %get3A_14 = arith.constant 0 : index
    %get3A_15 = arith.constant 0 : index
    %get3A_16 = vector.load %arg9[%get3A_13, %get3A_14, %get3A_15] : memref<1x64x256xf32, #tpu.memory_space<vmem>>, vector<1x64x256xf32>
    %get3A_17 = vector.shape_cast %get3A_16 : vector<1x64x256xf32> to vector<64x256xf32>
    %dot_general3A = arith.constant dense<0.000000e+00> : vector<1792x256xf32>
    %dot_general3A_18 = tpu.matmul %reshape3A, %get3A_17, %dot_general3A {dimension_numbers = #tpu.dot_dimension_numbers<[1], [0], [0], [1], [0, 0, 1, 1], [], []>, transpose_lhs_hint = false} : vector<1792x64xf32>, vector<64x256xf32>, vector<1792x256xf32> -> vector<1792x256xf32>
    %get3A_19 = arith.constant 0 : index
    %get3A_20 = arith.constant 0 : index
    %get3A_21 = arith.constant 0 : index
    %get3A_22 = vector.load %arg4[%get3A_19, %get3A_20, %get3A_21] : memref<1x32x256xf32, #tpu.memory_space<vmem>>, vector<1x32x256xf32>
    %get3A_23 = vector.shape_cast %get3A_22 : vector<1x32x256xf32> to vector<32x256xf32>
    %broadcast_in_dim3A_24 = vector.shape_cast %get3A_23 : vector<32x256xf32> to vector<32x1x256xf32>
    %reshape3A_25 = vector.shape_cast %dot_general3A_18 : vector<1792x256xf32> to vector<32x56x256xf32>
    %mul3A = arith.constant 0.49999997 : f32
    %mul3A_26 = vector.broadcast %mul3A : f32 to vector<32x56x256xf32>
    %mul3A_27 = arith.mulf %mul3A_26, %reshape3A_25 : vector<32x56x256xf32>
    %add3A_28 = vector.broadcast %broadcast_in_dim3A_24 : vector<32x1x256xf32> to vector<32x56x256xf32>
    %add3A_29 = arith.addf %add3A_28, %mul3A_27 : vector<32x56x256xf32>
    %max3A_30 = arith.constant 0.000000e+00 : f32
    %max3A_31 = vector.broadcast %max3A_30 : f32 to vector<32x56x256xf32>
    %max3A_32 = arith.maximumf %add3A_29, %max3A_31 : vector<32x56x256xf32>
    %get3A_33 = arith.constant 0 : index
    %get3A_34 = arith.constant 0 : index
    %get3A_35 = arith.constant 0 : index
    %get3A_36 = vector.load %arg7[%get3A_33, %get3A_34, %get3A_35] : memref<1x32x56xi32, #tpu.memory_space<vmem>>, vector<1x32x56xi32>
    %get3A_37 = vector.shape_cast %get3A_36 : vector<1x32x56xi32> to vector<32x56xi32>
    %eq3A = arith.constant 0 : i32
    %eq3A_38 = vector.broadcast %eq3A : i32 to vector<32x56xi32>
    %eq3A_39 = arith.cmpi eq, %get3A_37, %eq3A_38 : vector<32x56xi32>
    %convert_element_type3A = arith.extui %eq3A_39 : vector<32x56xi1> to vector<32x56xi32>
    %convert_element_type3A_40 = arith.sitofp %convert_element_type3A : vector<32x56xi32> to vector<32x56xf32>
    %broadcast_in_dim3A_41 = vector.shape_cast %convert_element_type3A_40 : vector<32x56xf32> to vector<32x56x1xf32>
    %get3A_42 = arith.constant 0 : index
    %get3A_43 = arith.constant 0 : index
    %get3A_44 = arith.constant 0 : index
    %get3A_45 = vector.load %arg5[%get3A_42, %get3A_43, %get3A_44] : memref<1x32x256xf32, #tpu.memory_space<vmem>>, vector<1x32x256xf32>
    %get3A_46 = vector.shape_cast %get3A_45 : vector<1x32x256xf32> to vector<32x256xf32>
    %broadcast_in_dim3A_47 = vector.shape_cast %get3A_46 : vector<32x256xf32> to vector<32x1x256xf32>
    %sub3A = arith.constant 1.000000e+00 : f32
    %sub3A_48 = vector.broadcast %sub3A : f32 to vector<32x56x1xf32>
    %sub3A_49 = arith.subf %sub3A_48, %broadcast_in_dim3A_41 : vector<32x56x1xf32>
    %mul3A_50 = vector.broadcast %sub3A_49 : vector<32x56x1xf32> to vector<32x56x256xf32>
    %mul3A_51 = arith.mulf %max3A_32, %mul3A_50 : vector<32x56x256xf32>
    %mul3A_52 = vector.broadcast %broadcast_in_dim3A_47 : vector<32x1x256xf32> to vector<32x56x256xf32>
    %mul3A_53 = vector.broadcast %broadcast_in_dim3A_41 : vector<32x56x1xf32> to vector<32x56x256xf32>
    %mul3A_54 = arith.mulf %mul3A_52, %mul3A_53 : vector<32x56x256xf32>
    %add3A_55 = arith.addf %mul3A_51, %mul3A_54 : vector<32x56x256xf32>
    %get3A_56 = arith.constant 0 : index
    %get3A_57 = arith.constant 0 : index
    %get3A_58 = arith.constant 0 : index
    %get3A_59 = vector.load %arg6[%get3A_56, %get3A_57, %get3A_58] : memref<1x32x56xf32, #tpu.memory_space<vmem>>, vector<1x32x56xf32>
    %get3A_60 = vector.shape_cast %get3A_59 : vector<1x32x56xf32> to vector<32x56xf32>
    %tanh3A = math.tanh %get3A_60 : vector<32x56xf32>
    %broadcast_in_dim3A_61 = vector.shape_cast %tanh3A : vector<32x56xf32> to vector<32x56x1xf32>
    %mul3A_62 = vector.broadcast %broadcast_in_dim3A_61 : vector<32x56x1xf32> to vector<32x56x256xf32>
    %mul3A_63 = arith.mulf %add3A_55, %mul3A_62 : vector<32x56x256xf32>
    %get3A_64 = arith.constant 0 : index
    %get3A_65 = arith.constant 0 : index
    %get3A_66 = vector.load %arg8[%get3A_64, %get3A_65] : memref<32x56xf32, #tpu.memory_space<vmem>>, vector<32x56xf32>
    %iota3A = tpu.iota {dimensions = array<i32: 1>} : vector<32x56xi32>
    %convert_element_type3A_67 = arith.sitofp %iota3A : vector<32x56xi32> to vector<32x56xf32>
    %lt3A = arith.cmpf olt, %convert_element_type3A_67, %get3A_66 : vector<32x56xf32>
    %convert_element_type3A_68 = arith.extui %lt3A : vector<32x56xi1> to vector<32x56xi32>
    %convert_element_type3A_69 = arith.sitofp %convert_element_type3A_68 : vector<32x56xi32> to vector<32x56xf32>
    %broadcast_in_dim3A_70 = vector.shape_cast %convert_element_type3A_69 : vector<32x56xf32> to vector<32x56x1xf32>
    %mul3A_71 = vector.broadcast %broadcast_in_dim3A_70 : vector<32x56x1xf32> to vector<32x56x256xf32>
    %mul3A_72 = arith.mulf %mul3A_63, %mul3A_71 : vector<32x56x256xf32>
    %sub3A_73 = arith.constant 1.000000e+00 : f32
    %sub3A_74 = vector.broadcast %sub3A_73 : f32 to vector<32x56x1xf32>
    %sub3A_75 = arith.subf %sub3A_74, %broadcast_in_dim3A_70 : vector<32x56x1xf32>
    %mul3A_76 = arith.constant 3.000000e+38 : f32
    %mul3A_77 = vector.broadcast %mul3A_76 : f32 to vector<32x56x1xf32>
    %mul3A_78 = arith.mulf %sub3A_75, %mul3A_77 : vector<32x56x1xf32>
    %sub3A_79 = vector.broadcast %mul3A_78 : vector<32x56x1xf32> to vector<32x56x256xf32>
    %sub3A_80 = arith.subf %mul3A_72, %sub3A_79 : vector<32x56x256xf32>
    %reduce_max3A = arith.constant dense<0xFF800000> : vector<32x256xf32>
    %reduce_max3A_81 = vector.multi_reduction <maximumf>, %sub3A_80, %reduce_max3A [1] : vector<32x56x256xf32> to vector<32x256xf32>
    %mul3A_82 = vector.broadcast %broadcast_in_dim3A_70 : vector<32x56x1xf32> to vector<32x56x256xf32>
    %mul3A_83 = arith.mulf %mul3A_63, %mul3A_82 : vector<32x56x256xf32>
    %reduce_sum3A = arith.constant dense<0.000000e+00> : vector<32x256xf32>
    %reduce_sum3A_84 = vector.multi_reduction <add>, %mul3A_83, %reduce_sum3A [1] : vector<32x56x256xf32> to vector<32x256xf32>
    %slice3A_85 = vector.extract_strided_slice %get3A_66 {offsets = [0, 0], sizes = [32, 1], strides = [1, 1]} : vector<32x56xf32> to vector<32x1xf32>
    %div3A = vector.broadcast %slice3A_85 : vector<32x1xf32> to vector<32x256xf32>
    %div3A_86 = arith.divf %reduce_sum3A_84, %div3A : vector<32x256xf32>
    %get3A_87 = arith.constant 0 : index
    %get3A_88 = arith.constant 0 : index
    %get3A_89 = arith.constant 0 : index
    %get3A_90 = vector.load %arg10[%get3A_87, %get3A_88, %get3A_89] : memref<1x512x256xf32, #tpu.memory_space<vmem>>, vector<1x512x256xf32>
    %get3A_91 = vector.shape_cast %get3A_90 : vector<1x512x256xf32> to vector<512x256xf32>
    %slice3A_92 = vector.extract_strided_slice %get3A_91 {offsets = [0, 0], sizes = [256, 256], strides = [1, 1]} : vector<512x256xf32> to vector<256x256xf32>
    %dot_general3A_93 = arith.constant dense<0.000000e+00> : vector<32x256xf32>
    %dot_general3A_94 = tpu.matmul %reduce_max3A_81, %slice3A_92, %dot_general3A_93 {dimension_numbers = #tpu.dot_dimension_numbers<[1], [0], [0], [1], [0, 0, 1, 1], [], []>, transpose_lhs_hint = false} : vector<32x256xf32>, vector<256x256xf32>, vector<32x256xf32> -> vector<32x256xf32>
    %slice3A_95 = vector.extract_strided_slice %get3A_91 {offsets = [256, 0], sizes = [256, 256], strides = [1, 1]} : vector<512x256xf32> to vector<256x256xf32>
    %dot_general3A_96 = arith.constant dense<0.000000e+00> : vector<32x256xf32>
    %dot_general3A_97 = tpu.matmul %div3A_86, %slice3A_95, %dot_general3A_96 {dimension_numbers = #tpu.dot_dimension_numbers<[1], [0], [0], [1], [0, 0, 1, 1], [], []>, transpose_lhs_hint = false} : vector<32x256xf32>, vector<256x256xf32>, vector<32x256xf32> -> vector<32x256xf32>
    %add3A_98 = arith.addf %dot_general3A_94, %dot_general3A_97 : vector<32x256xf32>
    %get3A_99 = arith.constant 0 : index
    %get3A_100 = arith.constant 0 : index
    %get3A_101 = arith.constant 0 : index
    %get3A_102 = vector.load %arg11[%get3A_99, %get3A_100, %get3A_101] : memref<1x1x256xf32, #tpu.memory_space<vmem>>, vector<1x1x256xf32>
    %get3A_103 = vector.shape_cast %get3A_102 : vector<1x1x256xf32> to vector<256xf32>
    %broadcast_in_dim3A_104 = vector.shape_cast %get3A_103 : vector<256xf32> to vector<1x256xf32>
    %add3A_105 = vector.broadcast %broadcast_in_dim3A_104 : vector<1x256xf32> to vector<32x256xf32>
    %add3A_106 = arith.addf %add3A_98, %add3A_105 : vector<32x256xf32>
    %max3A_107 = arith.constant 0.000000e+00 : f32
    %max3A_108 = vector.broadcast %max3A_107 : f32 to vector<32x256xf32>
    %max3A_109 = arith.maximumf %add3A_106, %max3A_108 : vector<32x256xf32>
    %get3A_110 = arith.constant 0 : index
    %get3A_111 = arith.constant 0 : index
    %get3A_112 = arith.constant 0 : index
    %get3A_113 = vector.load %arg12[%get3A_110, %get3A_111, %get3A_112] : memref<1x256x128xf32, #tpu.memory_space<vmem>>, vector<1x256x128xf32>
    %get3A_114 = vector.shape_cast %get3A_113 : vector<1x256x128xf32> to vector<256x128xf32>
    %dot_general3A_115 = arith.constant dense<0.000000e+00> : vector<32x128xf32>
    %dot_general3A_116 = tpu.matmul %max3A_109, %get3A_114, %dot_general3A_115 {dimension_numbers = #tpu.dot_dimension_numbers<[1], [0], [0], [1], [0, 0, 1, 1], [], []>, transpose_lhs_hint = false} : vector<32x256xf32>, vector<256x128xf32>, vector<32x128xf32> -> vector<32x128xf32>
    %get3A_117 = arith.constant 0 : index
    %get3A_118 = arith.constant 0 : index
    %get3A_119 = arith.constant 0 : index
    %get3A_120 = vector.load %arg13[%get3A_117, %get3A_118, %get3A_119] : memref<1x1x128xf32, #tpu.memory_space<vmem>>, vector<1x1x128xf32>
    %get3A_121 = vector.shape_cast %get3A_120 : vector<1x1x128xf32> to vector<128xf32>
    %broadcast_in_dim3A_122 = vector.shape_cast %get3A_121 : vector<128xf32> to vector<1x128xf32>
    %add3A_123 = vector.broadcast %broadcast_in_dim3A_122 : vector<1x128xf32> to vector<32x128xf32>
    %add3A_124 = arith.addf %dot_general3A_116, %add3A_123 : vector<32x128xf32>
    %swap3A = arith.constant 0 : index
    %swap3A_125 = arith.constant 0 : index
    %swap3A_126 = arith.constant 0 : index
    %swap3A_127 = vector.load %arg14[%swap3A, %swap3A_125, %swap3A_126] : memref<1x32x128xf32, #tpu.memory_space<vmem>>, vector<1x32x128xf32>
    %swap3A_128 = vector.shape_cast %swap3A_127 : vector<1x32x128xf32> to vector<32x128xf32>
    %swap3A_129 = vector.shape_cast %add3A_124 : vector<32x128xf32> to vector<1x32x128xf32>
    tpu.vector_store %arg14[%swap3A, %swap3A_125, %swap3A_126], %swap3A_129 {strides = array<i32>} : memref<1x32x128xf32, #tpu.memory_space<vmem>>, vector<1x32x128xf32>,
    return
  }
  func.func @transform_0(%arg0: i32, %arg1: i32) -> (i32, i32, i32, i32) {
    %c0_i32 = arith.constant 0 : i32
    %c0_i32_0 = arith.constant 0 : i32
    %c0_i32_1 = arith.constant 0 : i32
    return %arg0, %arg1, %c0_i32, %c0_i32_0 : i32, i32, i32, i32
  }
  func.func @transform_1(%arg0: i32, %arg1: i32) -> (i32, i32, i32) {
    %c0_i32 = arith.constant 0 : i32
    %c0_i32_0 = arith.constant 0 : i32
    return %arg0, %arg1, %c0_i32 : i32, i32, i32
  }
  func.func @transform_2(%arg0: i32, %arg1: i32) -> (i32, i32, i32) {
    %c0_i32 = arith.constant 0 : i32
    %c0_i32_0 = arith.constant 0 : i32
    return %arg0, %arg1, %c0_i32 : i32, i32, i32
  }
  func.func @transform_3(%arg0: i32, %arg1: i32) -> (i32, i32, i32) {
    %c0_i32 = arith.constant 0 : i32
    %c0_i32_0 = arith.constant 0 : i32
    return %arg0, %arg1, %c0_i32 : i32, i32, i32
  }
  func.func @transform_4(%arg0: i32, %arg1: i32) -> (i32, i32, i32) {
    %c0_i32 = arith.constant 0 : i32
    %c0_i32_0 = arith.constant 0 : i32
    return %arg0, %arg1, %c0_i32 : i32, i32, i32
  }
  func.func @transform_5(%arg0: i32, %arg1: i32) -> (i32, i32, i32) {
    %c0_i32 = arith.constant 0 : i32
    %c0_i32_0 = arith.constant 0 : i32
    return %arg0, %arg1, %c0_i32 : i32, i32, i32
  }
  func.func @transform_6(%arg0: i32, %arg1: i32) -> (i32, i32) {
    %c0_i32 = arith.constant 0 : i32
    %c0_i32_0 = arith.constant 0 : i32
    return %arg1, %c0_i32 : i32, i32
  }
  func.func @transform_7(%arg0: i32, %arg1: i32) -> (i32, i32, i32) {
    %c0_i32 = arith.constant 0 : i32
    %c0_i32_0 = arith.constant 0 : i32
    %c0_i32_1 = arith.constant 0 : i32
    return %arg0, %c0_i32, %c0_i32_0 : i32, i32, i32
  }
  func.func @transform_8(%arg0: i32, %arg1: i32) -> (i32, i32, i32) {
    %c0_i32 = arith.constant 0 : i32
    %c0_i32_0 = arith.constant 0 : i32
    %c0_i32_1 = arith.constant 0 : i32
    return %arg0, %c0_i32, %c0_i32_0 : i32, i32, i32
  }
  func.func @transform_9(%arg0: i32, %arg1: i32) -> (i32, i32, i32) {
    %c0_i32 = arith.constant 0 : i32
    %c0_i32_0 = arith.constant 0 : i32
    %c0_i32_1 = arith.constant 0 : i32
    return %arg0, %c0_i32, %c0_i32_0 : i32, i32, i32
  }
  func.func @transform_10(%arg0: i32, %arg1: i32) -> (i32, i32, i32) {
    %c0_i32 = arith.constant 0 : i32
    %c0_i32_0 = arith.constant 0 : i32
    %c0_i32_1 = arith.constant 0 : i32
    return %arg0, %c0_i32, %c0_i32_0 : i32, i32, i32
  }
  func.func @transform_11(%arg0: i32, %arg1: i32) -> (i32, i32, i32) {
    %c0_i32 = arith.constant 0 : i32
    %c0_i32_0 = arith.constant 0 : i32
    %c0_i32_1 = arith.constant 0 : i32
    return %arg0, %c0_i32, %c0_i32_0 : i32, i32, i32
  }
  func.func @transform_12(%arg0: i32, %arg1: i32) -> (i32, i32, i32) {
    %c0_i32 = arith.constant 0 : i32
    %c0_i32_0 = arith.constant 0 : i32
    return %arg0, %arg1, %c0_i32 : i32, i32, i32
  }
}

module attributes {stable_mosaic.version = 14 : i64} {
  func.func @_head_kernel(%arg0: memref<256x96xf32, #tpu.memory_space<vmem>>, %arg1: memref<256x128xf32, #tpu.memory_space<vmem>>, %arg2: memref<256x2xf32, #tpu.memory_space<vmem>>, %arg3: memref<256x64xf32, #tpu.memory_space<vmem>>, %arg4: memref<96x384xf32, #tpu.memory_space<vmem>>, %arg5: memref<384xf32, #tpu.memory_space<vmem>>, %arg6: memref<128x384xf32, #tpu.memory_space<vmem>>, %arg7: memref<384xf32, #tpu.memory_space<vmem>>, %arg8: memref<128x256xf32, #tpu.memory_space<vmem>>, %arg9: memref<256xf32, #tpu.memory_space<vmem>>, %arg10: memref<256x64xf32, #tpu.memory_space<vmem>>, %arg11: memref<64xf32, #tpu.memory_space<vmem>>, %arg12: memref<256x64xf32, #tpu.memory_space<vmem>>, %arg13: memref<64xf32, #tpu.memory_space<vmem>>, %arg14: memref<64x256xf32, #tpu.memory_space<vmem>>, %arg15: memref<2x256xf32, #tpu.memory_space<vmem>>, %arg16: memref<256xf32, #tpu.memory_space<vmem>>, %arg17: memref<256x96xf32, #tpu.memory_space<vmem>>, %arg18: memref<96xf32, #tpu.memory_space<vmem>>, %arg19: memref<256x96xf32, #tpu.memory_space<vmem>>, %arg20: memref<256x128xf32, #tpu.memory_space<vmem>>, %arg21: memref<256x64xf32, #tpu.memory_space<vmem>>, %arg22: memref<256x64xf32, #tpu.memory_space<vmem>>) attributes {dimension_semantics = [], scalar_prefetch = 0 : i64, scratch_operands = 0 : i64, tpu.core_type = #tpu.core_type<tc>} {
    %get3A = arith.constant 0 : index
    %get3A_0 = arith.constant 0 : index
    %get3A_1 = vector.load %arg0[%get3A, %get3A_0] : memref<256x96xf32, #tpu.memory_space<vmem>>, vector<256x96xf32>
    %get3A_2 = arith.constant 0 : index
    %get3A_3 = arith.constant 0 : index
    %get3A_4 = vector.load %arg1[%get3A_2, %get3A_3] : memref<256x128xf32, #tpu.memory_space<vmem>>, vector<256x128xf32>
    %get3A_5 = arith.constant 0 : index
    %get3A_6 = arith.constant 0 : index
    %get3A_7 = vector.load %arg4[%get3A_5, %get3A_6] : memref<96x384xf32, #tpu.memory_space<vmem>>, vector<96x384xf32>
    %dot_general3A = arith.constant dense<0.000000e+00> : vector<256x384xf32>
    %dot_general3A_8 = tpu.matmul %get3A_1, %get3A_7, %dot_general3A {dimension_numbers = #tpu.dot_dimension_numbers<[1], [0], [0], [1], [0, 0, 1, 1], [], []>, transpose_lhs_hint = false} : vector<256x96xf32>, vector<96x384xf32>, vector<256x384xf32> -> vector<256x384xf32>
    %get3A_9 = arith.constant 0 : index
    %get3A_10 = vector.load %arg5[%get3A_9] : memref<384xf32, #tpu.memory_space<vmem>>, vector<384xf32>
    %broadcast_in_dim3A = vector.shape_cast %get3A_10 : vector<384xf32> to vector<1x384xf32>
    %add3A = vector.broadcast %broadcast_in_dim3A : vector<1x384xf32> to vector<256x384xf32>
    %add3A_11 = arith.addf %dot_general3A_8, %add3A : vector<256x384xf32>
    %get3A_12 = arith.constant 0 : index
    %get3A_13 = arith.constant 0 : index
    %get3A_14 = vector.load %arg6[%get3A_12, %get3A_13] : memref<128x384xf32, #tpu.memory_space<vmem>>, vector<128x384xf32>
    %dot_general3A_15 = arith.constant dense<0.000000e+00> : vector<256x384xf32>
    %dot_general3A_16 = tpu.matmul %get3A_4, %get3A_14, %dot_general3A_15 {dimension_numbers = #tpu.dot_dimension_numbers<[1], [0], [0], [1], [0, 0, 1, 1], [], []>, transpose_lhs_hint = false} : vector<256x128xf32>, vector<128x384xf32>, vector<256x384xf32> -> vector<256x384xf32>
    %get3A_17 = arith.constant 0 : index
    %get3A_18 = vector.load %arg7[%get3A_17] : memref<384xf32, #tpu.memory_space<vmem>>, vector<384xf32>
    %broadcast_in_dim3A_19 = vector.shape_cast %get3A_18 : vector<384xf32> to vector<1x384xf32>
    %add3A_20 = vector.broadcast %broadcast_in_dim3A_19 : vector<1x384xf32> to vector<256x384xf32>
    %add3A_21 = arith.addf %dot_general3A_16, %add3A_20 : vector<256x384xf32>
    %slice3A = vector.extract_strided_slice %add3A_11 {offsets = [0, 0], sizes = [256, 128], strides = [1, 1]} : vector<256x384xf32> to vector<256x128xf32>
    %slice3A_22 = vector.extract_strided_slice %add3A_21 {offsets = [0, 0], sizes = [256, 128], strides = [1, 1]} : vector<256x384xf32> to vector<256x128xf32>
    %add3A_23 = arith.addf %slice3A, %slice3A_22 : vector<256x128xf32>
    %logistic3A = arith.negf %add3A_23 : vector<256x128xf32>
    %logistic3A_24 = math.exp %logistic3A : vector<256x128xf32>
    %logistic3A_25 = arith.constant 1.000000e+00 : f32
    %logistic3A_26 = vector.broadcast %logistic3A_25 : f32 to vector<256x128xf32>
    %logistic3A_27 = arith.addf %logistic3A_26, %logistic3A_24 : vector<256x128xf32>
    %logistic3A_28 = arith.divf %logistic3A_26, %logistic3A_27 : vector<256x128xf32>
    %slice3A_29 = vector.extract_strided_slice %add3A_11 {offsets = [0, 128], sizes = [256, 128], strides = [1, 1]} : vector<256x384xf32> to vector<256x128xf32>
    %slice3A_30 = vector.extract_strided_slice %add3A_21 {offsets = [0, 128], sizes = [256, 128], strides = [1, 1]} : vector<256x384xf32> to vector<256x128xf32>
    %add3A_31 = arith.addf %slice3A_29, %slice3A_30 : vector<256x128xf32>
    %logistic3A_32 = arith.negf %add3A_31 : vector<256x128xf32>
    %logistic3A_33 = math.exp %logistic3A_32 : vector<256x128xf32>
    %logistic3A_34 = arith.constant 1.000000e+00 : f32
    %logistic3A_35 = vector.broadcast %logistic3A_34 : f32 to vector<256x128xf32>
    %logistic3A_36 = arith.addf %logistic3A_35, %logistic3A_33 : vector<256x128xf32>
    %logistic3A_37 = arith.divf %logistic3A_35, %logistic3A_36 : vector<256x128xf32>
    %slice3A_38 = vector.extract_strided_slice %add3A_11 {offsets = [0, 256], sizes = [256, 128], strides = [1, 1]} : vector<256x384xf32> to vector<256x128xf32>
    %slice3A_39 = vector.extract_strided_slice %add3A_21 {offsets = [0, 256], sizes = [256, 128], strides = [1, 1]} : vector<256x384xf32> to vector<256x128xf32>
    %mul3A = arith.mulf %logistic3A_28, %slice3A_39 : vector<256x128xf32>
    %add3A_40 = arith.addf %slice3A_38, %mul3A : vector<256x128xf32>
    %tanh3A = math.tanh %add3A_40 : vector<256x128xf32>
    %sub3A = arith.constant 1.000000e+00 : f32
    %sub3A_41 = vector.broadcast %sub3A : f32 to vector<256x128xf32>
    %sub3A_42 = arith.subf %sub3A_41, %logistic3A_37 : vector<256x128xf32>
    %mul3A_43 = arith.mulf %sub3A_42, %tanh3A : vector<256x128xf32>
    %mul3A_44 = arith.mulf %logistic3A_37, %get3A_4 : vector<256x128xf32>
    %add3A_45 = arith.addf %mul3A_43, %mul3A_44 : vector<256x128xf32>
    %swap3A = arith.constant 0 : index
    %swap3A_46 = arith.constant 0 : index
    %swap3A_47 = vector.load %arg20[%swap3A, %swap3A_46] : memref<256x128xf32, #tpu.memory_space<vmem>>, vector<256x128xf32>
    tpu.vector_store %arg20[%swap3A, %swap3A_46], %add3A_45 {strides = array<i32>} : memref<256x128xf32, #tpu.memory_space<vmem>>, vector<256x128xf32>,
    %get3A_48 = arith.constant 0 : index
    %get3A_49 = arith.constant 0 : index
    %get3A_50 = vector.load %arg8[%get3A_48, %get3A_49] : memref<128x256xf32, #tpu.memory_space<vmem>>, vector<128x256xf32>
    %dot_general3A_51 = arith.constant dense<0.000000e+00> : vector<256x256xf32>
    %dot_general3A_52 = tpu.matmul %add3A_45, %get3A_50, %dot_general3A_51 {dimension_numbers = #tpu.dot_dimension_numbers<[1], [0], [0], [1], [0, 0, 1, 1], [], []>, transpose_lhs_hint = false} : vector<256x128xf32>, vector<128x256xf32>, vector<256x256xf32> -> vector<256x256xf32>
    %get3A_53 = arith.constant 0 : index
    %get3A_54 = vector.load %arg9[%get3A_53] : memref<256xf32, #tpu.memory_space<vmem>>, vector<256xf32>
    %broadcast_in_dim3A_55 = vector.shape_cast %get3A_54 : vector<256xf32> to vector<1x256xf32>
    %add3A_56 = vector.broadcast %broadcast_in_dim3A_55 : vector<1x256xf32> to vector<256x256xf32>
    %add3A_57 = arith.addf %dot_general3A_52, %add3A_56 : vector<256x256xf32>
    %get3A_58 = arith.constant 0 : index
    %get3A_59 = arith.constant 0 : index
    %get3A_60 = vector.load %arg10[%get3A_58, %get3A_59] : memref<256x64xf32, #tpu.memory_space<vmem>>, vector<256x64xf32>
    %dot_general3A_61 = arith.constant dense<0.000000e+00> : vector<256x64xf32>
    %dot_general3A_62 = tpu.matmul %add3A_57, %get3A_60, %dot_general3A_61 {dimension_numbers = #tpu.dot_dimension_numbers<[1], [0], [0], [1], [0, 0, 1, 1], [], []>, transpose_lhs_hint = false} : vector<256x256xf32>, vector<256x64xf32>, vector<256x64xf32> -> vector<256x64xf32>
    %get3A_63 = arith.constant 0 : index
    %get3A_64 = vector.load %arg11[%get3A_63] : memref<64xf32, #tpu.memory_space<vmem>>, vector<64xf32>
    %broadcast_in_dim3A_65 = vector.shape_cast %get3A_64 : vector<64xf32> to vector<1x64xf32>
    %add3A_66 = vector.broadcast %broadcast_in_dim3A_65 : vector<1x64xf32> to vector<256x64xf32>
    %add3A_67 = arith.addf %dot_general3A_62, %add3A_66 : vector<256x64xf32>
    %get3A_68 = arith.constant 0 : index
    %get3A_69 = arith.constant 0 : index
    %get3A_70 = vector.load %arg12[%get3A_68, %get3A_69] : memref<256x64xf32, #tpu.memory_space<vmem>>, vector<256x64xf32>
    %dot_general3A_71 = arith.constant dense<0.000000e+00> : vector<256x64xf32>
    %dot_general3A_72 = tpu.matmul %add3A_57, %get3A_70, %dot_general3A_71 {dimension_numbers = #tpu.dot_dimension_numbers<[1], [0], [0], [1], [0, 0, 1, 1], [], []>, transpose_lhs_hint = false} : vector<256x256xf32>, vector<256x64xf32>, vector<256x64xf32> -> vector<256x64xf32>
    %get3A_73 = arith.constant 0 : index
    %get3A_74 = vector.load %arg13[%get3A_73] : memref<64xf32, #tpu.memory_space<vmem>>, vector<64xf32>
    %broadcast_in_dim3A_75 = vector.shape_cast %get3A_74 : vector<64xf32> to vector<1x64xf32>
    %add3A_76 = vector.broadcast %broadcast_in_dim3A_75 : vector<1x64xf32> to vector<256x64xf32>
    %add3A_77 = arith.addf %dot_general3A_72, %add3A_76 : vector<256x64xf32>
    %swap3A_78 = arith.constant 0 : index
    %swap3A_79 = arith.constant 0 : index
    %swap3A_80 = vector.load %arg21[%swap3A_78, %swap3A_79] : memref<256x64xf32, #tpu.memory_space<vmem>>, vector<256x64xf32>
    tpu.vector_store %arg21[%swap3A_78, %swap3A_79], %add3A_67 {strides = array<i32>} : memref<256x64xf32, #tpu.memory_space<vmem>>, vector<256x64xf32>,
    %swap3A_81 = arith.constant 0 : index
    %swap3A_82 = arith.constant 0 : index
    %swap3A_83 = vector.load %arg22[%swap3A_81, %swap3A_82] : memref<256x64xf32, #tpu.memory_space<vmem>>, vector<256x64xf32>
    tpu.vector_store %arg22[%swap3A_81, %swap3A_82], %add3A_77 {strides = array<i32>} : memref<256x64xf32, #tpu.memory_space<vmem>>, vector<256x64xf32>,
    %mul3A_84 = arith.constant 5.000000e-01 : f32
    %mul3A_85 = vector.broadcast %mul3A_84 : f32 to vector<256x64xf32>
    %mul3A_86 = arith.mulf %mul3A_85, %add3A_77 : vector<256x64xf32>
    %exp3A = math.exp %mul3A_86 : vector<256x64xf32>
    %get3A_87 = arith.constant 0 : index
    %get3A_88 = arith.constant 0 : index
    %get3A_89 = vector.load %arg3[%get3A_87, %get3A_88] : memref<256x64xf32, #tpu.memory_space<vmem>>, vector<256x64xf32>
    %mul3A_90 = arith.mulf %exp3A, %get3A_89 : vector<256x64xf32>
    %add3A_91 = arith.addf %add3A_67, %mul3A_90 : vector<256x64xf32>
    %get3A_92 = arith.constant 0 : index
    %get3A_93 = arith.constant 0 : index
    %get3A_94 = vector.load %arg14[%get3A_92, %get3A_93] : memref<64x256xf32, #tpu.memory_space<vmem>>, vector<64x256xf32>
    %dot_general3A_95 = arith.constant dense<0.000000e+00> : vector<256x256xf32>
    %dot_general3A_96 = tpu.matmul %add3A_91, %get3A_94, %dot_general3A_95 {dimension_numbers = #tpu.dot_dimension_numbers<[1], [0], [0], [1], [0, 0, 1, 1], [], []>, transpose_lhs_hint = false} : vector<256x64xf32>, vector<64x256xf32>, vector<256x256xf32> -> vector<256x256xf32>
    %get3A_97 = arith.constant 0 : index
    %get3A_98 = arith.constant 0 : index
    %get3A_99 = vector.load %arg2[%get3A_97, %get3A_98] : memref<256x2xf32, #tpu.memory_space<vmem>>, vector<256x2xf32>
    %get3A_100 = arith.constant 0 : index
    %get3A_101 = arith.constant 0 : index
    %get3A_102 = vector.load %arg15[%get3A_100, %get3A_101] : memref<2x256xf32, #tpu.memory_space<vmem>>, vector<2x256xf32>
    %dot_general3A_103 = arith.constant dense<0.000000e+00> : vector<256x256xf32>
    %dot_general3A_104 = tpu.matmul %get3A_99, %get3A_102, %dot_general3A_103 {dimension_numbers = #tpu.dot_dimension_numbers<[1], [0], [0], [1], [0, 0, 1, 1], [], []>, transpose_lhs_hint = false} : vector<256x2xf32>, vector<2x256xf32>, vector<256x256xf32> -> vector<256x256xf32>
    %add3A_105 = arith.addf %dot_general3A_96, %dot_general3A_104 : vector<256x256xf32>
    %get3A_106 = arith.constant 0 : index
    %get3A_107 = vector.load %arg16[%get3A_106] : memref<256xf32, #tpu.memory_space<vmem>>, vector<256xf32>
    %broadcast_in_dim3A_108 = vector.shape_cast %get3A_107 : vector<256xf32> to vector<1x256xf32>
    %add3A_109 = vector.broadcast %broadcast_in_dim3A_108 : vector<1x256xf32> to vector<256x256xf32>
    %add3A_110 = arith.addf %add3A_105, %add3A_109 : vector<256x256xf32>
    %max3A = arith.constant 0.000000e+00 : f32
    %max3A_111 = vector.broadcast %max3A : f32 to vector<256x256xf32>
    %max3A_112 = arith.maximumf %add3A_110, %max3A_111 : vector<256x256xf32>
    %get3A_113 = arith.constant 0 : index
    %get3A_114 = arith.constant 0 : index
    %get3A_115 = vector.load %arg17[%get3A_113, %get3A_114] : memref<256x96xf32, #tpu.memory_space<vmem>>, vector<256x96xf32>
    %dot_general3A_116 = arith.constant dense<0.000000e+00> : vector<256x96xf32>
    %dot_general3A_117 = tpu.matmul %max3A_112, %get3A_115, %dot_general3A_116 {dimension_numbers = #tpu.dot_dimension_numbers<[1], [0], [0], [1], [0, 0, 1, 1], [], []>, transpose_lhs_hint = false} : vector<256x256xf32>, vector<256x96xf32>, vector<256x96xf32> -> vector<256x96xf32>
    %get3A_118 = arith.constant 0 : index
    %get3A_119 = vector.load %arg18[%get3A_118] : memref<96xf32, #tpu.memory_space<vmem>>, vector<96xf32>
    %broadcast_in_dim3A_120 = vector.shape_cast %get3A_119 : vector<96xf32> to vector<1x96xf32>
    %add3A_121 = vector.broadcast %broadcast_in_dim3A_120 : vector<1x96xf32> to vector<256x96xf32>
    %add3A_122 = arith.addf %dot_general3A_117, %add3A_121 : vector<256x96xf32>
    %logistic3A_123 = arith.negf %add3A_122 : vector<256x96xf32>
    %logistic3A_124 = math.exp %logistic3A_123 : vector<256x96xf32>
    %logistic3A_125 = arith.constant 1.000000e+00 : f32
    %logistic3A_126 = vector.broadcast %logistic3A_125 : f32 to vector<256x96xf32>
    %logistic3A_127 = arith.addf %logistic3A_126, %logistic3A_124 : vector<256x96xf32>
    %logistic3A_128 = arith.divf %logistic3A_126, %logistic3A_127 : vector<256x96xf32>
    %swap3A_129 = arith.constant 0 : index
    %swap3A_130 = arith.constant 0 : index
    %swap3A_131 = vector.load %arg19[%swap3A_129, %swap3A_130] : memref<256x96xf32, #tpu.memory_space<vmem>>, vector<256x96xf32>
    tpu.vector_store %arg19[%swap3A_129, %swap3A_130], %logistic3A_128 {strides = array<i32>} : memref<256x96xf32, #tpu.memory_space<vmem>>, vector<256x96xf32>,
    return
  }
}

</mosaic_0001>

<sc_bundles>
// kernel: kernel.6.cloned.1.call-start
scs
__scs_entry_jumppad:
0x0: {  	(pc) =	sbr.rel $0x88, $3  }
0x1: {  	(tag) =	ssettag $0x0;
	lr =	simm.s32 $0x1  }
0x2: {  	[smem:$0x3F79] =	sst lr;
	_ =	strace $0xD0000000  }
0x3: {  	_ = 	snop  }
0x4: {  	_ = 	snop  }
0x5: {  	_ = 	snop  }
0x6: {  	_ = 	snop  }
0x7: {  	_ = 	snop  }
__scs_overlays_trampoline_lowered:
0x8: {  	[smem:$0x3F88] =	sst s0  }
0x9: {  	[smem:$0x3F89] =	sst s1  }
0xa: {  	[smem:$0x3F8A] =	sst s2  }
0xb: {  	[smem:$0x3F8B] =	sst s3  }
0xc: {  	[smem:$0x3F8C] =	sst s4  }
0xd: {  	[smem:$0x3F8D] =	sst s5  }
0xe: {  	[smem:$0x3F8E] =	sst s6  }
0xf: {  	[smem:$0x3F8F] =	sst s7  }
0x10: {  	[smem:$0x3F90] =	sst s8  }
0x11: {  	[smem:$0x3F91] =	sst s9;
	s0 =	simm.s32 @!p0 $0x0  }
0x12: {  	s1 =	sld [smem:$0x3F77];
	s0 =	simm.s32 @p0 $0x1  }
0x13: {  	[smem:$0x3F92] =	sst s0;
	s0 =	simm.s32 @!p1 $0x0  }
0x14: {  	s2 =	sld [smem:$0x3F76];
	s0 =	simm.s32 @p1 $0x1  }
0x15: {  	[smem:$0x3F93] =	sst s0;
	s0 =	simm.s32 @!p2 $0x0  }
0x16: {  	s3 =	sld [smem:$0x3FDB];
	s0 =	simm.s32 @p2 $0x1  }
0x17: {  	s4 =	simm.s32 $0x1BF5;
	[smem:$0x3F95] =	sst s0  }
0x18: {  	s0 =	sld [smem:$0x3F78];
	_ =	swait.ge [sflag:s4], $0x0  }
0x19: {  	s7 =	sld [smem:$0x3F79]  }
0x1a: {  	s8 =	sadd.s32 $0xFFFFE003, lr  }
0x1b: {  	s9 =	sadd.s32 $0xFFFFFEF7, lr;
	s5 =	simm.s32 $0xFFFFFFFF;
	p2 =	slt.u32 s8, $0xFFFFF086  }
0x1c: {  	p1 =	slt.u32 s9, $0xF7A;
	s5 =	simm.s32 @!p2 $0x0  }
0x1d: {  	s5 =	simm.s32 @p1 $0x1;
	p0 =	seq.s32 s7, s2  }
0x1e: {  	s7 =	smul.u32 @!p0 $0xF7A, s2;
	p2 =	seq.s32 @!p0 s5, $0x0  }
0x1f: {  	s9 =	smul.u32 $0xF7A, s1;
	s8 =	simm.s32 @!p0 $0x1BF5;
	p2 =	por !p2, p0  }
0x20: {  	[sflag:s8] =	ssyncset.s32 @!p0 $0xFFFFF086;
	s6 =	sadd.s32 @!p0 s3, s7;
	s7 =	simm.s32 @!p0 $0x108  }
0x21: {  	s3 =	sadd.s32 s3, s9;
	s6 =	sadd.s32 @!p0 $0x88, s6;
	s7 =	simm.s32 @p2 $0x1082  }
0x22: {  	[simem:s7], [sflag:s8] =	dma.local @!p0 [hbm:s6], $0xF7A  }
0x23: {  	s9 =	sor.u32 $0xD0000000, s2;
	s6 =	simm.s32 $0x108;
	_ =	swait.ge @!p0 [sflag:s8], $0x0  }
0x24: {  	s3 =	sadd.s32 $0x88, s3;
	s6 =	simm.s32 @!p1 $0x1082;
	[sflag:s4] =	ssyncset.s32 $0xFFFFF086  }
0x25: {  	[simem:s6], [sflag:s4] =	dma.local [hbm:s3], $0xF7A  }
0x26: {  	[smem:$0x3F79] =	sst s1;
	(tag) =	ssettag s2;
	_ =	strace s9  }
0x27: {  	s1 =	sld [smem:$0x3F89]  }
0x28: {  	s2 =	sld [smem:$0x3F8A]  }
0x29: {  	s4 =	sld [smem:$0x3F8C]  }
0x2a: {  	p0 =	seq.s32 s5, $0x0;
	s5 =	sld [smem:$0x3F8D]  }
0x2b: {  	s6 =	sld [smem:$0x3F8E]  }
0x2c: {  	s7 =	sld [smem:$0x3F8F]  }
0x2d: {  	s3 =	simm.s32 $0x108;
	s8 =	sld [smem:$0x3F90]  }
0x2e: {  	s3 =	simm.s32 @!p0 $0x1082;
	s9 =	sld [smem:$0x3F91]  }
0x2f: {  	lr =	sadd.s32 s0, s3;
	s0 =	sld [smem:$0x3F88]  }
0x30: {  	s3 =	sld [smem:$0x3F8B]  }
0x31: {  	[smem:$0x3F94] =	sst s10  }
0x32: {  	s10 =	sld [smem:$0x3F92];
	_ =	sdelay $0x3  }
0x33: {  	p0 =	seq.s32 s10, $0x1;
	s10 =	sld [smem:$0x3F94];
	_ =	sdelay $0x3  }
0x34: {  	[smem:$0x3F94] =	sst s10  }
0x35: {  	s10 =	sld [smem:$0x3F93];
	_ =	sdelay $0x3  }
0x36: {  	p1 =	seq.s32 s10, $0x1;
	s10 =	sld [smem:$0x3F94];
	_ =	sdelay $0x3  }
0x37: {  	[smem:$0x3F94] =	sst s10  }
0x38: {  	s10 =	sld [smem:$0x3F95]  }
0x39: {  	_ = 	snop;
	(pc) =	sbr.ind lr, $3  }
0x3a: {  	_ = 	snop  }
0x3b: {  	_ = 	snop  }
0x3c: {  	p2 =	seq.s32 s10, $0x1;
	s10 =	sld [smem:$0x3F94]  }
0x3d: {  	_ =	shalt  }
0x3e: {  	_ =	shalt  }
0x3f: {  	_ =	shalt  }
0x40: {  	_ =	shalt  }
0x41: {  	_ =	shalt  }
0x42: {  	_ =	shalt  }
0x43: {  	_ =	shalt  }
0x44: {  	_ =	shalt  }
0x45: {  	_ =	shalt  }
0x46: {  	_ =	shalt  }
0x47: {  	_ =	shalt  }
0x48: {  	_ =	shalt  }
0x49: {  	_ =	shalt  }
0x4a: {  	_ =	shalt  }
0x4b: {  	_ =	shalt  }
0x4c: {  	_ =	shalt  }
0x4d: {  	_ =	shalt  }
0x4e: {  	_ =	shalt  }
0x4f: {  	_ =	shalt  }
0x50: {  	_ =	shalt  }
0x51: {  	_ =	shalt  }
0x52: {  	_ =	shalt  }
0x53: {  	_ =	shalt  }
0x54: {  	_ =	shalt  }
0x55: {  	_ =	shalt  }
0x56: {  	_ =	shalt  }
0x57: {  	_ =	shalt  }
0x58: {  	_ =	shalt  }
0x59: {  	_ =	shalt  }
0x5a: {  	_ =	shalt  }
0x5b: {  	_ =	shalt  }
0x5c: {  	_ =	shalt  }
0x5d: {  	_ =	shalt  }
0x5e: {  	_ =	shalt  }
0x5f: {  	_ =	shalt  }
0x60: {  	_ =	shalt  }
0x61: {  	_ =	shalt  }
0x62: {  	_ =	shalt  }
0x63: {  	_ =	shalt  }
0x64: {  	_ =	shalt  }
0x65: {  	_ =	shalt  }
0x66: {  	_ =	shalt  }
0x67: {  	_ =	shalt  }
0x68: {  	_ =	shalt  }
0x69: {  	_ =	shalt  }
0x6a: {  	_ =	shalt  }
0x6b: {  	_ =	shalt  }
0x6c: {  	_ =	shalt  }
0x6d: {  	_ =	shalt  }
0x6e: {  	_ =	shalt  }
0x6f: {  	_ =	shalt  }
0x70: {  	_ =	shalt  }
0x71: {  	_ =	shalt  }
0x72: {  	_ =	shalt  }
0x73: {  	_ =	shalt  }
0x74: {  	_ =	shalt  }
0x75: {  	_ =	shalt  }
0x76: {  	_ =	shalt  }
0x77: {  	_ =	shalt  }
0x78: {  	_ =	shalt  }
0x79: {  	_ =	shalt  }
0x7a: {  	_ =	shalt  }
0x7b: {  	_ =	shalt  }
0x7c: {  	_ =	shalt  }
0x7d: {  	_ =	shalt  }
0x7e: {  	_ =	shalt  }
0x7f: {  	_ =	shalt  }
0x80: {  	_ =	shalt  }
0x81: {  	_ =	shalt  }
0x82: {  	_ =	shalt  }
0x83: {  	_ =	shalt  }
0x84: {  	_ =	shalt  }
0x85: {  	_ =	shalt  }
0x86: {  	_ =	shalt  }
0x87: {  	_ =	shalt  }
.Lfunc_end0:
.L_simem_size_0:
called_computation_lowered:
.L_overlay_start_0:
0x88: {  	s2 =	sld [smem:$0x3FD9]  }
0x89: {  	s3 =	sld [smem:$0x3FFE];
	_ =	sdelay $0x1  }
0x8a: {  	s1 =	srdreg.scid  }
0x8b: {  	s0 =	sand.u32 $0x1, s1  }
0x8c: {  	s14 =	sshll.u32 s0, $0xA;
	s2 =	sadd.s32 s3, s2  }
0x8d: {  	s2 =	sadd.s32 s2, s14  }
0x8e: {  	[smem:$0x3FA0] =	sst s2  }
0x8f: {  	_ = 	snop  }
0x90: {  	s2 =	sld [smem:$0x3FD0];
	_ =	sdelay $0x2  }
0x91: {  	s15 =	simm.s32 $0xA;
	s4 =	simm.s32 $0x10  }
0x92: {  	[smem:s4], [sflag:s15] =	dma.local [hbm:s2], $0x1  }
0x93: {  	_ =	swait.eq [sflag:s15], $0x1  }
0x94: {  	[sflag:s15] =	ssyncset.done $0x0  }
0x95: {  	[sflag:s15] =	ssyncadd.s32 $0xFFFFFFFF  }
0x96: {  	s16 =	sld [smem:$0x11];
	(tm) =	ssettm $0x1  }
0x97: {  	s17 =	sld [smem:$0x3FFB];
	_ =	sdelay $0x3  }
0x98: {  	_ =	strace s17  }
0x99: {  	s3 =	sld [smem:$0x3FFC];
	_ =	sdelay $0x3  }
0x9a: {  	_ =	strace s3  }
0x9b: {  	s3 =	sld [smem:$0x3FFD];
	_ =	sdelay $0x3  }
0x9c: {  	_ =	strace s3  }
0x9d: {  	_ =	strace $0x8FFFFFFF  }
0x9e: {  	s18 =	sld [smem:$0x3FDB];
	_ =	sdelay $0x1  }
0x9f: {  	s19 =	simm.s32 $_scs_section_size  }
0xa0: {  	s5 =	simm.s32 $_size__tile_overlayer_lowered;
	s6 =	simm.s32 $_tile_overlayer_lowered  }
0xa1: {  	s22 =	simm.s32 $0x1BFF;
	s21 =	sshll.u32 s6, $0x1;
	s3 =	sadd.s32 s19, s18  }
0xa2: {  	s7 =	simm.s32 $0x0;
	s20 =	sshll.u32 s5, $0x1;
	s5 =	sadd.s32 s21, s3  }
0xa3: {  	[timem:s7], [sflag:s22] =	dma.local [hbm:s5], s20  }
0xa4: {  	_ =	swait.ge [sflag:s22], s20  }
0xa5: {  	s4 =	ssub.s32 $0x0, s20;
	[sflag:s22] =	ssyncset.done $0x0  }
0xa6: {  	[sflag:s22] =	ssyncadd.s32 s4;
	_ =	sdelay $0x1  }
0xa7: {  	s23 =	simm.s32 $0x1B8B  }
0xa8: {  	_ =	swait.ge [sflag:s23], $0x1  }
0xa9: {  	[sflag:s23] =	ssyncset.done $0x0  }
0xaa: {  	s25 =	simm.s32 $0x1B8E;
	s24 =	sld [smem:$0x3FFE];
	[sflag:s23] =	ssyncadd.s32 $0xFFFFFFFF  }
0xab: {  	s26 =	simm.s32 $execute0_lowered;
	[smem:$0x3FD2] =	sst s25  }
0xac: {  	s5 =	sshll.u32 s26, $0x1;
	_ =	strace $0x80000046;
	[dreg:$0x1] =	wrdreg $0xFFFFFFFF  }
0xad: {  	s28 =	simm.s32 $_size_execute0_lowered;
	s3 =	sadd.s32 s3, s5;
	[dreg:$0x0] =	wrdreg $0x0  }
0xae: {  	s5 =	sshll.u32 s28, $0x1;
	[dreg:$0x2] =	wrdreg s3  }
0xaf: {  	[dreg:$0x3] =	wrdreg s5  }
0xb0: {  	[dreg:$0x4] =	wrdreg $0xC0  }
0xb1: {  	_ =	task [dreg:s7], $0x5FFFF  }
0xb2: {  	[dreg:$0x1] =	wrdreg $0xFFFFFFFF  }
0xb3: {  	[dreg:$0x0] =	wrdreg $0x60  }
0xb4: {  	[dreg:$0x2] =	wrdreg s24  }
0xb5: {  	[dreg:$0x3] =	wrdreg s16  }
0xb6: {  	[dreg:$0x4] =	wrdreg $0x0  }
0xb7: {  	[dreg:$0x5] =	wrdreg $0x9  }
0xb8: {  	_ =	task.clear_ibuf [dreg:s7], $0x6FFFF;
	_ =	strace $0x90000046  }
0xb9: {  	s29 =	simm.s32 $0x9;
	_ =	strace $0x80000048  }
0xba: {  	_ =	swait.ge [sflag:s29], $0x1  }
0xbb: {  	[sflag:s29] =	ssyncadd.s32 $0xFFFFFFFF  }
0xbc: {  	_ =	strace $0x90000048  }
0xbd: {  	_ =	sfence  }
0xbe: {  	s30 =	sld [smem:$0x0];
	_ =	sdelay $0x2  }
0xbf: {  	s31 =	sshll.u32 s1, $0xD;
	s1 =	sshrl.u32 s1, $0x2  }
0xc0: {  	s3 =	sand.u32 $0x4000, s31;
	s1 =	sadd.s32 s1, s30  }
0xc1: {  	s0 =	sor.u32 s3, s0;
	s1 =	sshll.u32 s1, $0x11  }
0xc2: {  	s0 =	sor.u32 s1, s0  }
0xc3: {  	s0 =	sadd.s32 $0x8F2B, s0  }
0xc4: {  	[sflag:s0] =	ssyncadd.remote.s32 $0x1  }
0xc5: {  	_ =	sfence.sel $0xFFFF  }
0xc6: {  	[dreg:$0x0] =	wrdreg $0xFFFFFFFF;
	(pc) =	sbr.abs _section_cstart, $3  }
0xc7: {  	[dreg:$0x1] =	wrdreg $0xFFFFFFFF  }
0xc8: {  	_ =	task.clear_ibuf [dreg:s7], $0x2FFFF;
	_ =	strace $0x9FFFFFFF  }
0xc9: {  	(tm) =	ssettm $0x7FFFFFFF  }
tec
execute0_lowered:
.L_overlay_start_1:
0x0: {  	(tag) =	ssettag $0x1  }
0x1: {  	s2 =	rddreg [dreg:$0x0]  }
0x2: {  	s3 =	rddreg [dreg:$0x1]  }
0x3: {  	s4 =	rddreg [dreg:$0x2]  }
0x4: {  	s0 =	rddreg [dreg:$0x3]  }
0x5: {  	s5 =	srdreg.scid;
	s6 =	stileid.u32  }
0x6: {  	s1 =	simm.s32 $0x0;
	s11 =	simm.s32 $0x1080;
	s12 =	simm.s32 $0x5400  }
0x7: {  	s13 =	simm.s32 $0x1100;
	s5 =	sand.u32 $0x1, s5;
	s7 =	sshll.u32 s6, $0x1  }
0x8: {  	s14 =	simm.s32 $0x9400;
	s7 =	sor.u32 s5, s7;
	s5 =	ssub.s32 $0x2, s5  }
0x9: {  	s15 =	simm.s32 $0x1180;
	s16 =	simm.s32 $0xD400;
	s10 =	sshrl.u32 s5, $0x1  }
0xa: {  	s17 =	simm.s32 $0x1200;
	s18 =	simm.s32 $0x11400;
	s5 =	ssub.s32 s5, s10  }
0xb: {  	s19 =	simm.s32 $0x1280;
	s22 =	simm.s32 $0x1300;
	s21 =	smax.u32 s5, $0x1  }
0xc: {  	s23 =	simm.s32 $0x19400;
	p1 =	por $0x0, $0x0;
	s26 =	sadd.s32 $0xFFFFFFFF, s21  }
0xd: {  	[smem:$0x7FF] =	sst s1;
	s9 =	smul.u32 $0x3800, s7;
	p2 =	sne.s32 s26, $0x0  }
.Ltmp0:
0xe: {  	s8 =	sadd.s32 $0x4200, s2;
	p0 =	sne.s32 s6, $0x0;
	(pc) =	sbr.rel @!p2 .LBB2_3-.Ltmp0, $4  }
0xf: {  	s6 =	simm.s32 $0x1;
	_ =	strace $0x80000047;
	s20 =	sshrl.u32 @!p0 s4, $0x3  }
0x10: {  	s7 =	sshll.u32 s7, $0x7;
	s10 =	simm.s32 $0x1000;
	s2 =	sadd.s32 s9, s2  }
0x11: {  	s9 =	sadd.s32 s3, s7;
	s3 =	simm.s32 $0x2;
	s7 =	simm.s32 $0x80  }
0x12: {  	s5 =	simm.s32 $0x1400;
	s2 =	sadd.s32 $0x6200, s2;
	s21 =	simm.s32 $0x15400  }
0x13: {  	s24 =	simm.s32 @!p0 $0x1C02;
	s25 =	simm.s32 @!p0 $0x2  }
0x14: {  	[spmem:s20], [sflag:s24] =	dma.local @!p0 [hbm:s8], $0x2000  }
0x15: {  	_ =	swait.ge @!p0 [sflag:s25], $0x2000  }
0x16: {  	[sflag:s25] =	ssyncset.done @!p0 $0x0  }
0x17: {  	[sflag:s25] =	ssyncadd.s32 @!p0 $0xFFFFE000  }
0x18: {  	[bflag:$0x0] =	sbarrier.arrive $0xFFFF  }
0x19: {  	[tilespmem:s10], [sflag:$0x2] =	stream.linear.gather [hbm4b:s9+s1], $0x400, $0x38;
	[tilespmem:$0x1D400] =	vst v63  }
0x1a: {  	_ =	swait.ge [sflag:s3], $0x400  }
0x1b: {  	[sflag:s3] =	ssyncset.done $0x0  }
0x1c: {  	[sflag:s3] =	ssyncadd.s32 $0xFFFFFC00  }
0x1d: {  	[tilespmem:s5], [sflag:$0x1] =	stream.indirect.gather [spmem:s4], $0x80, s10, s7, $0xb8;
	[tilespmem:$0x1D400] =	vst v63  }
0x1e: {  	_ = 	snop  }
0x1f: {  	[tilespmem:s12], [sflag:$0x1] =	stream.indirect.gather [spmem:s4], $0x80, s11, s7, $0xb8;
	[tilespmem:$0x1D400] =	vst v63  }
0x20: {  	_ = 	snop  }
0x21: {  	[tilespmem:s14], [sflag:$0x1] =	stream.indirect.gather [spmem:s4], $0x80, s13, s7, $0xb8;
	[tilespmem:$0x1D400] =	vst v63  }
0x22: {  	_ = 	snop  }
0x23: {  	[tilespmem:s16], [sflag:$0x1] =	stream.indirect.gather [spmem:s4], $0x80, s15, s7, $0xb8;
	[tilespmem:$0x1D400] =	vst v63  }
0x24: {  	_ = 	snop  }
0x25: {  	[tilespmem:s18], [sflag:$0x1] =	stream.indirect.gather [spmem:s4], $0x80, s17, s7, $0xb8;
	[tilespmem:$0x1D400] =	vst v63  }
0x26: {  	_ = 	snop  }
0x27: {  	[tilespmem:s21], [sflag:$0x1] =	stream.indirect.gather [spmem:s4], $0x80, s19, s7, $0xb8;
	[tilespmem:$0x1D400] =	vst v63  }
0x28: {  	_ = 	snop  }
0x29: {  	[tilespmem:s23], [sflag:$0x1] =	stream.indirect.gather [spmem:s4], $0x80, s22, s7, $0xb8;
	[tilespmem:$0x1D400] =	vst v63  }
0x2a: {  	_ =	swait.ge [sflag:s6], $0x4000  }
0x2b: {  	[sflag:s6] =	ssyncset.done $0x0  }
0x2c: {  	[sflag:s6] =	ssyncadd.s32 $0xFFFFC000  }
0x2d: {  	_ =	swait.ge [sflag:s6], $0x4000  }
0x2e: {  	[sflag:s6] =	ssyncset.done $0x0  }
0x2f: {  	[sflag:s6] =	ssyncadd.s32 $0xFFFFC000  }
0x30: {  	_ =	swait.ge [sflag:s6], $0x4000  }
0x31: {  	[sflag:s6] =	ssyncset.done $0x0  }
0x32: {  	[sflag:s6] =	ssyncadd.s32 $0xFFFFC000  }
0x33: {  	_ =	swait.ge [sflag:s6], $0x4000  }
0x34: {  	[sflag:s6] =	ssyncset.done $0x0  }
0x35: {  	[sflag:s6] =	ssyncadd.s32 $0xFFFFC000  }
0x36: {  	_ =	swait.ge [sflag:s6], $0x4000  }
0x37: {  	[sflag:s6] =	ssyncset.done $0x0  }
0x38: {  	[sflag:s6] =	ssyncadd.s32 $0xFFFFC000  }
0x39: {  	_ =	swait.ge [sflag:s6], $0x4000  }
0x3a: {  	[sflag:s6] =	ssyncset.done $0x0  }
0x3b: {  	s26 =	sadd.s32 $0xFFFFFFFF, s26;
	[sflag:s6] =	ssyncadd.s32 $0xFFFFC000  }
0x3c: {  	p2 =	sne.s32 s26, $0x0;
	_ =	swait.ge [sflag:s6], $0x4000  }
.Ltmp1:
0x3d: {  	[sflag:s6] =	ssyncset.done $0x0;
	(pc) =	sbr.rel @!p2 .LBB2_3-.Ltmp1, $4  }
0x3e: {  	[sflag:s6] =	ssyncadd.s32 $0xFFFFC000  }
0x3f: {  	[hbm4b:s2+s1] =	stream.linear.scatter [tilespmem:s5], [sflag:$0x2], $0x1C000, $0x38;
	[tilespmem:$0x1D400] =	vst v63  }
0x40: {  	_ =	swait.ge [sflag:s3], $0x1C000  }
0x41: {  	p1 =	por $0x1, $0x1;
	[sflag:s3] =	ssyncset.done $0x0  }
.LBB2_2:
0x42: {  	[sflag:s3] =	ssyncadd.s32 $0xFFFE4000  }
0x43: {  	[spmem:s20], [sflag:s24] =	dma.local @!p0 [hbm:s8], $0x2000  }
0x44: {  	s26 =	sadd.s32 $0xFFFFFFFF, s26;
	_ =	swait.ge @!p0 [sflag:s25], $0x2000  }
0x45: {  	p2 =	sne.s32 s26, $0x0;
	[sflag:s25] =	ssyncset.done @!p0 $0x0  }
0x46: {  	[sflag:s25] =	ssyncadd.s32 @!p0 $0xFFFFE000  }
0x47: {  	[bflag:$0x0] =	sbarrier.arrive $0xFFFF  }
0x48: {  	[tilespmem:s10], [sflag:$0x2] =	stream.linear.gather [hbm4b:s9+s1], $0x400, $0x38;
	[tilespmem:$0x1D400] =	vst v63  }
0x49: {  	_ =	swait.ge [sflag:s3], $0x400  }
0x4a: {  	[sflag:s3] =	ssyncset.done $0x0  }
0x4b: {  	[sflag:s3] =	ssyncadd.s32 $0xFFFFFC00  }
0x4c: {  	[tilespmem:s5], [sflag:$0x1] =	stream.indirect.gather [spmem:s4], $0x80, s10, s7, $0xb8;
	[tilespmem:$0x1D400] =	vst v63  }
0x4d: {  	_ = 	snop  }
0x4e: {  	[tilespmem:s12], [sflag:$0x1] =	stream.indirect.gather [spmem:s4], $0x80, s11, s7, $0xb8;
	[tilespmem:$0x1D400] =	vst v63  }
0x4f: {  	_ = 	snop  }
0x50: {  	[tilespmem:s14], [sflag:$0x1] =	stream.indirect.gather [spmem:s4], $0x80, s13, s7, $0xb8;
	[tilespmem:$0x1D400] =	vst v63  }
0x51: {  	_ = 	snop  }
0x52: {  	[tilespmem:s16], [sflag:$0x1] =	stream.indirect.gather [spmem:s4], $0x80, s15, s7, $0xb8;
	[tilespmem:$0x1D400] =	vst v63  }
0x53: {  	_ = 	snop  }
0x54: {  	[tilespmem:s18], [sflag:$0x1] =	stream.indirect.gather [spmem:s4], $0x80, s17, s7, $0xb8;
	[tilespmem:$0x1D400] =	vst v63  }
0x55: {  	_ = 	snop  }
0x56: {  	[tilespmem:s21], [sflag:$0x1] =	stream.indirect.gather [spmem:s4], $0x80, s19, s7, $0xb8;
	[tilespmem:$0x1D400] =	vst v63  }
0x57: {  	_ = 	snop  }
0x58: {  	[tilespmem:s23], [sflag:$0x1] =	stream.indirect.gather [spmem:s4], $0x80, s22, s7, $0xb8;
	[tilespmem:$0x1D400] =	vst v63  }
0x59: {  	_ =	swait.ge [sflag:s6], $0x4000  }
0x5a: {  	[sflag:s6] =	ssyncset.done $0x0  }
0x5b: {  	[sflag:s6] =	ssyncadd.s32 $0xFFFFC000  }
0x5c: {  	_ =	swait.ge [sflag:s6], $0x4000  }
0x5d: {  	[sflag:s6] =	ssyncset.done $0x0  }
0x5e: {  	[sflag:s6] =	ssyncadd.s32 $0xFFFFC000  }
0x5f: {  	_ =	swait.ge [sflag:s6], $0x4000  }
0x60: {  	[sflag:s6] =	ssyncset.done $0x0  }
0x61: {  	[sflag:s6] =	ssyncadd.s32 $0xFFFFC000  }
0x62: {  	_ =	swait.ge [sflag:s6], $0x4000  }
0x63: {  	[sflag:s6] =	ssyncset.done $0x0  }
0x64: {  	[sflag:s6] =	ssyncadd.s32 $0xFFFFC000  }
0x65: {  	_ =	swait.ge [sflag:s6], $0x4000  }
0x66: {  	[sflag:s6] =	ssyncset.done $0x0  }
0x67: {  	[sflag:s6] =	ssyncadd.s32 $0xFFFFC000  }
0x68: {  	_ =	swait.ge [sflag:s6], $0x4000  }
0x69: {  	[sflag:s6] =	ssyncset.done $0x0  }
0x6a: {  	[sflag:s6] =	ssyncadd.s32 $0xFFFFC000  }
0x6b: {  	_ =	swait.ge [sflag:s6], $0x4000  }
.Ltmp2:
0x6c: {  	[sflag:s6] =	ssyncset.done $0x0;
	(pc) =	sbr.rel @p2 .LBB2_2-.Ltmp2, $4  }
0x6d: {  	[sflag:s6] =	ssyncadd.s32 $0xFFFFC000  }
0x6e: {  	[hbm4b:s2+s1] =	stream.linear.scatter [tilespmem:s5], [sflag:$0x2], $0x1C000, $0x38;
	[tilespmem:$0x1D400] =	vst v63  }
0x6f: {  	_ =	swait.ge [sflag:s3], $0x1C000  }
0x70: {  	[sflag:s3] =	ssyncset.done $0x0  }
.LBB2_3:
0x71: {  	s24 =	simm.s32 @!p0 $0x1C02;
	s25 =	simm.s32 @!p0 $0x2;
	[sflag:s3] =	ssyncadd.s32 @p1 $0xFFFE4000  }
0x72: {  	[spmem:s20], [sflag:s24] =	dma.local @!p0 [hbm:s8], $0x2000  }
0x73: {  	_ =	swait.ge @!p0 [sflag:s25], $0x2000  }
0x74: {  	[sflag:s25] =	ssyncset.done @!p0 $0x0  }
0x75: {  	[sflag:s25] =	ssyncadd.s32 @!p0 $0xFFFFE000  }
0x76: {  	[bflag:$0x0] =	sbarrier.arrive $0xFFFF  }
0x77: {  	[tilespmem:s10], [sflag:$0x2] =	stream.linear.gather [hbm4b:s9+s1], $0x400, $0x38;
	[tilespmem:$0x1D400] =	vst v63  }
0x78: {  	_ =	swait.ge [sflag:s3], $0x400  }
0x79: {  	[sflag:s3] =	ssyncset.done $0x0  }
0x7a: {  	[sflag:s3] =	ssyncadd.s32 $0xFFFFFC00  }
0x7b: {  	[tilespmem:s5], [sflag:$0x1] =	stream.indirect.gather [spmem:s4], $0x80, s10, s7, $0xb8;
	[tilespmem:$0x1D400] =	vst v63  }
0x7c: {  	_ = 	snop  }
0x7d: {  	[tilespmem:s12], [sflag:$0x1] =	stream.indirect.gather [spmem:s4], $0x80, s11, s7, $0xb8;
	[tilespmem:$0x1D400] =	vst v63  }
0x7e: {  	_ = 	snop  }
0x7f: {  	[tilespmem:s14], [sflag:$0x1] =	stream.indirect.gather [spmem:s4], $0x80, s13, s7, $0xb8;
	[tilespmem:$0x1D400] =	vst v63  }
0x80: {  	_ = 	snop  }
0x81: {  	[tilespmem:s16], [sflag:$0x1] =	stream.indirect.gather [spmem:s4], $0x80, s15, s7, $0xb8;
	[tilespmem:$0x1D400] =	vst v63  }
0x82: {  	_ = 	snop  }
0x83: {  	[tilespmem:s18], [sflag:$0x1] =	stream.indirect.gather [spmem:s4], $0x80, s17, s7, $0xb8;
	[tilespmem:$0x1D400] =	vst v63  }
0x84: {  	_ = 	snop  }
0x85: {  	[tilespmem:s21], [sflag:$0x1] =	stream.indirect.gather [spmem:s4], $0x80, s19, s7, $0xb8;
	[tilespmem:$0x1D400] =	vst v63  }
0x86: {  	_ = 	snop  }
0x87: {  	[tilespmem:s23], [sflag:$0x1] =	stream.indirect.gather [spmem:s4], $0x80, s22, s7, $0xb8;
	[tilespmem:$0x1D400] =	vst v63  }
0x88: {  	_ =	swait.ge [sflag:s6], $0x4000  }
0x89: {  	[sflag:s6] =	ssyncset.done $0x0  }
0x8a: {  	[sflag:s6] =	ssyncadd.s32 $0xFFFFC000  }
0x8b: {  	_ =	swait.ge [sflag:s6], $0x4000  }
0x8c: {  	[sflag:s6] =	ssyncset.done $0x0  }
0x8d: {  	[sflag:s6] =	ssyncadd.s32 $0xFFFFC000  }
0x8e: {  	_ =	swait.ge [sflag:s6], $0x4000  }
0x8f: {  	[sflag:s6] =	ssyncset.done $0x0  }
0x90: {  	[sflag:s6] =	ssyncadd.s32 $0xFFFFC000  }
0x91: {  	_ =	swait.ge [sflag:s6], $0x4000  }
0x92: {  	[sflag:s6] =	ssyncset.done $0x0  }
0x93: {  	[sflag:s6] =	ssyncadd.s32 $0xFFFFC000  }
0x94: {  	_ =	swait.ge [sflag:s6], $0x4000  }
0x95: {  	[sflag:s6] =	ssyncset.done $0x0  }
0x96: {  	[sflag:s6] =	ssyncadd.s32 $0xFFFFC000  }
0x97: {  	_ =	swait.ge [sflag:s6], $0x4000  }
0x98: {  	[sflag:s6] =	ssyncset.done $0x0  }
0x99: {  	[sflag:s6] =	ssyncadd.s32 $0xFFFFC000  }
0x9a: {  	_ =	swait.ge [sflag:s6], $0x4000  }
0x9b: {  	[sflag:s6] =	ssyncset.done $0x0  }
0x9c: {  	[sflag:s6] =	ssyncadd.s32 $0xFFFFC000  }
0x9d: {  	[hbm4b:s2+s1] =	stream.linear.scatter [tilespmem:s5], [sflag:$0x2], $0x1C000, $0x38;
	[tilespmem:$0x1D400] =	vst v63  }
0x9e: {  	_ =	swait.ge [sflag:s3], $0x1C000  }
0x9f: {  	[sflag:s3] =	ssyncset.done $0x0  }
0xa0: {  	[sflag:s3] =	ssyncadd.s32 $0xFFFE4000  }
0xa1: {  	_ =	sfence.sel $0x180000  }
0xa2: {  	[bflag:$0x0] =	sbarrier.arrive $0xFFFF  }
0xa3: {  	_ =	strace $0x90000047  }
0xa4: {  	s0 =	sadd.s32 @!p0 $0x100000, s0;
	[bflag:$0x2] =	sbarrier.arrive $0xFFFF  }
0xa5: {  	[sflag:s0] =	ssyncadd.tile.s32 @!p0 $0x1;
	_ =	shalt  }
.Lfunc_end2:
_tile_overlayer_lowered:
.L_overlay_start_2:
0xa6: {  	(tag) =	ssettag $0x2  }
0xa7: {  	s0 =	rddreg [dreg:$0x0];
	s2 =	stileid.u32  }
0xa8: {  	s1 =	rddreg [dreg:$0x1];
	p0 =	sne.s32 s2, $0x0  }
0xa9: {  	s3 =	rddreg [dreg:$0x2];
	[bflag:$0x3] =	sbarrier.arrive $0xFFFF;
	s2 =	simm.s32 @!p0 $0x1C02  }
0xaa: {  	[timem:s3], [sflag:s2] =	dma.local @!p0 [hbm:s0], s1  }
0xab: {  	s0 =	simm.s32 @!p0 $0x2  }
0xac: {  	_ =	swait.ge @!p0 [sflag:s0], s1  }
0xad: {  	s1 =	ssub.s32 @!p0 $0x0, s1;
	[sflag:s0] =	ssyncset.done @!p0 $0x0  }
0xae: {  	[sflag:s0] =	ssyncadd.s32 @!p0 s1  }
0xaf: {  	[bflag:$0x3] =	sbarrier.arrive $0xFFFF  }
0xb0: {  	_ =	shalt  }

</sc_bundles>
